<compile_context>
chip_gen: v7x
topology: tpu7x:2x2x1
jax: 0.10.2.dev20260603
libtpu: 0.0.44.dev20260713+nightly
codegen_flags: <defaults>
</compile_context>

<pallas_src>
import functools

import jax
import jax.numpy as jnp
from jax import lax
from jax.experimental import pallas as pl
from jax.experimental.pallas import tpu as pltpu
from jax.experimental.pallas import tpu_sc as plsc

CB = 512
IB = 128
NW = 32
LANES = 16


def _sc_scores(z_user, z_movie, i0_2d, i1_2d, rel_emb, E_pad):
    H = z_user.shape[1]
    L = rel_emb.shape[0]
    C = E_pad // CB
    KI = CB // IB
    JV = H // LANES
    per_w = -(-C // NW)
    mesh = plsc.VectorSubcoreMesh(core_axis_name="c", subcore_axis_name="s")

    @functools.partial(
        pl.kernel,
        out_type=jax.ShapeDtypeStruct((E_pad * L,), jnp.float32),
        mesh=mesh,
        compiler_params=pltpu.CompilerParams(use_tc_tiling_on_sc=False,
                                             needs_layout_passes=False),
        scratch_types=[
            pltpu.VMEM((KI, IB), jnp.int32),
            pltpu.VMEM((KI, IB), jnp.int32),
            pltpu.VMEM((CB, H), jnp.float32),
            pltpu.VMEM((CB, H), jnp.float32),
            pltpu.VMEM((L, H), jnp.float32),
            pltpu.VMEM((CB * L + LANES,), jnp.float32),
            pltpu.SemaphoreType.DMA,
        ],
    )
    def k(zu_hbm, zm_hbm, i0_hbm, i1_hbm, rel_hbm, s_hbm,
          i0_v, i1_v, src_v, dst_v, rel_v, sc_v, sem):
        wid = lax.axis_index("s") * 2 + lax.axis_index("c")
        pltpu.sync_copy(rel_hbm, rel_v)
        rel_vecs = [[rel_v[l, pl.ds(j * LANES, LANES)] for j in range(JV)]
                    for l in range(L)]
        last_lane = lax.iota(jnp.int32, LANES) == (LANES - 1)

        def chunk_body(kk, carry):
            c = wid + kk * NW

            @pl.when(c < C)
            def _():
                pltpu.sync_copy(i0_hbm.at[pl.ds(c * KI, KI)], i0_v)
                pltpu.sync_copy(i1_hbm.at[pl.ds(c * KI, KI)], i1_v)
                copies = []
                for g in range(KI):
                    copies.append(pltpu.async_copy(
                        zu_hbm.at[i0_v.at[g]], src_v.at[pl.ds(g * IB, IB)], sem))
                    copies.append(pltpu.async_copy(
                        zm_hbm.at[i1_v.at[g]], dst_v.at[pl.ds(g * IB, IB)], sem))
                for cp in copies:
                    cp.wait()

                def edge_body(e, carry2):
                    tv = [src_v[e, pl.ds(j * LANES, LANES)]
                          * dst_v[e, pl.ds(j * LANES, LANES)] for j in range(JV)]
                    for l in range(L):
                        w = tv[0] * rel_vecs[l][0]
                        for j in range(1, JV):
                            w = w + tv[j] * rel_vecs[l][j]
                        cs = plsc.cumsum(w)
                        plsc.store_compressed(
                            sc_v.at[pl.ds(e * L + l, LANES)], cs, mask=last_lane)
                    return carry2

                lax.fori_loop(0, CB, edge_body, 0)
                pltpu.sync_copy(sc_v.at[pl.ds(0, CB * L)],
                                s_hbm.at[pl.ds(c * (CB * L), CB * L)])

            return carry

        lax.fori_loop(0, per_w, chunk_body, 0)

    return k(z_user, z_movie, i0_2d, i1_2d, rel_emb)


def _b1(s_ref, psum_ref):
    i = pl.program_id(0)
    psum_ref[pl.ds(i, 1), :] = jnp.sum(jnp.exp(s_ref[...]), axis=0, keepdims=True)


def _b2(s_ref, psum_ref, o_ref):
    lse = jnp.log(jnp.sum(psum_ref[...], axis=0, keepdims=True))
    o_ref[...] = s_ref[...] - lse


def _tc_softmax(s_pad, E):
    L = s_pad.shape[1]
    BE = 4000
    T = E // BE
    assert T * BE == E
    psum = pl.pallas_call(
        _b1,
        grid=(T,),
        in_specs=[pl.BlockSpec((BE, L), lambda i: (i, 0))],
        out_specs=pl.BlockSpec((T, L), lambda i: (0, 0)),
        out_shape=jax.ShapeDtypeStruct((T, L), jnp.float32),
    )(s_pad)
    out = pl.pallas_call(
        _b2,
        grid=(T,),
        in_specs=[pl.BlockSpec((BE, L), lambda i: (i, 0)),
                  pl.BlockSpec((T, L), lambda i: (0, 0))],
        out_specs=pl.BlockSpec((BE, L), lambda i: (i, 0)),
        out_shape=jax.ShapeDtypeStruct((E, L), jnp.float32),
    )(s_pad, psum)
    return out


def kernel(z_user, z_movie, edge_label_index, rel_emb, edge_labels):
    E = edge_label_index.shape[1]
    E_pad = -(-E // CB) * CB
    idx0 = edge_label_index[0]
    idx1 = edge_label_index[1]
    pad = E_pad - E
    if pad:
        idx0 = jnp.pad(idx0, (0, pad))
        idx1 = jnp.pad(idx1, (0, pad))
    i0_2d = idx0.reshape(E_pad // IB, IB)
    i1_2d = idx1.reshape(E_pad // IB, IB)
    s_flat = _sc_scores(z_user, z_movie, i0_2d, i1_2d, rel_emb, E_pad)
    L = rel_emb.shape[0]
    return _tc_softmax(s_flat.reshape(E_pad, L), E)

# --- scband reference (transcript-rebuilt; emitter-appended) ---
"""Pipeline reference for scband-edge-decoder-26671746908392 (READ-ONLY COPY).

The authoritative reference and input builder live on the scoring server;
editing this copy changes nothing except your own understanding.
"""

import jax, jax.numpy as jnp
import numpy as np

N_USER = 100000
N_MOVIE = 20000
HIDDEN = 64
NUM_EDGES = 500000
NUM_LABELS = 5


def setup_inputs(seed: int = 0) -> dict:
    key = jax.random.key(seed)
    k1, k2, k3, k4 = jax.random.split(key, 4)
    z_user = jax.random.normal(k1, (N_USER, HIDDEN), dtype=jnp.float32)
    z_movie = jax.random.normal(k2, (N_MOVIE, HIDDEN), dtype=jnp.float32)
    edge_label_index = jax.random.randint(k3, (2, NUM_EDGES), 0, N_MOVIE, dtype=jnp.int32)
    # xavier_uniform init for rel_emb [num_relations, hidden_channels]
    limit = float(np.sqrt(6.0 / (NUM_LABELS + HIDDEN)))
    rel_emb = jax.random.uniform(k4, (NUM_LABELS, HIDDEN), dtype=jnp.float32, minval=-limit, maxval=limit)
    edge_labels = jnp.arange(NUM_LABELS, dtype=jnp.int32)
    return {"z_user": z_user, "z_movie": z_movie, "edge_label_index": edge_label_index, "rel_emb": rel_emb, "edge_labels": edge_labels}


def reference(z_user, z_movie, edge_label_index, rel_emb, edge_labels):
    # decode: gather src/dst node embeddings once (same for all labels)
    z_src = jnp.take(z_user, edge_label_index[0], axis=0)   # [E, H]
    z_dst = jnp.take(z_movie, edge_label_index[1], axis=0)  # [E, H]
    num_labels = int(edge_labels.shape[0])
    cols = []
    for label in range(num_labels):
        rel = rel_emb[label]                                 # [H]
        score = jnp.sum(z_src * rel * z_dst, axis=1)         # [E]
        cols.append(score)
    # torch code writes scores[:, label] = score with labels 0..L-1
    scores = jnp.stack(cols, axis=1)                         # [E, L]
    # note: original applies log_softmax over dim=0 (edges), kept faithful
    return jax.nn.log_softmax(scores, axis=0)

if __name__ == "__main__":
    import jax
    _d = setup_inputs()
    print(jax.jit(kernel)(*tuple(_d.values())))

</pallas_src>

<mosaic_0001>
#map = affine_map<(d0, d1) -> (0, 0)>
#map1 = affine_map<(d0, d1) -> (0)>
module attributes {stable_mosaic.version = 14 : i64} {
  func.func @k(%arg0: i32, %arg1: i32, %arg2: memref<100000x64xf32, #tpu.memory_space<hbm>>, %arg3: memref<20000x64xf32, #tpu.memory_space<hbm>>, %arg4: memref<3908x128xi32, #tpu.memory_space<hbm>>, %arg5: memref<3908x128xi32, #tpu.memory_space<hbm>>, %arg6: memref<5x64xf32, #tpu.memory_space<hbm>>, %arg7: memref<2501120xf32, #tpu.memory_space<hbm>>, %arg8: memref<4x128xi32, #tpu.memory_space<vmem>>, %arg9: memref<4x128xi32, #tpu.memory_space<vmem>>, %arg10: memref<512x64xf32, #tpu.memory_space<vmem>>, %arg11: memref<512x64xf32, #tpu.memory_space<vmem>>, %arg12: memref<5x64xf32, #tpu.memory_space<vmem>>, %arg13: memref<2576xf32, #tpu.memory_space<vmem>>, %arg14: memref<!tpu.dma_semaphore, #tpu.memory_space<semaphore_mem>>) attributes {dimension_semantics = [#tpu.dimension_semantics<core_parallel>, #tpu.dimension_semantics<subcore_parallel>], iteration_bounds = array<i64: 2, 16>, scalar_prefetch = 0 : i64, scratch_operands = 7 : i64, tpu.core_type = #tpu.core_type<sc_vector_subcore>, window_params = [{transform_indices = #map}, {transform_indices = #map}, {transform_indices = #map}, {transform_indices = #map}, {transform_indices = #map}, {transform_indices = #map1}]} {
    %mul3A = arith.constant 2 : i32
    %mul3A_0 = arith.muli %arg1, %mul3A : i32
    %add3A = arith.addi %mul3A_0, %arg0 : i32
    "tpu.region"() ({
      %run_scoped3A = tpu.sem_alloc : memref<!tpu.dma_semaphore, #tpu.memory_space<semaphore_mem>>
      tpu.enqueue_dma source(%arg6 : memref<5x64xf32, #tpu.memory_space<hbm>>) target(%arg12 : memref<5x64xf32, #tpu.memory_space<vmem>>) target_semaphore(%run_scoped3A : memref<!tpu.dma_semaphore, #tpu.memory_space<semaphore_mem>>)
      tpu.wait_dma2 semaphore(%run_scoped3A : memref<!tpu.dma_semaphore, #tpu.memory_space<semaphore_mem>>) src(%arg6 : memref<5x64xf32, #tpu.memory_space<hbm>>) dst(%arg12 : memref<5x64xf32, #tpu.memory_space<vmem>>)
      tpu.yield
    }) : () -> ()
    %get3A = arith.constant 0 : i32
    %get3A_1 = arith.index_cast %get3A : i32 to index
    %get3A_2 = arith.constant 0 : index
    %get3A_3 = tpu.vector_load %arg12[%get3A_1, %get3A_2] {strides = array<i32>} : memref<5x64xf32, #tpu.memory_space<vmem>>, vector<16xf32>,
    %get3A_4 = arith.constant 0 : i32
    %get3A_5 = arith.index_cast %get3A_4 : i32 to index
    %get3A_6 = arith.constant 16 : index
    %get3A_7 = tpu.vector_load %arg12[%get3A_5, %get3A_6] {strides = array<i32>} : memref<5x64xf32, #tpu.memory_space<vmem>>, vector<16xf32>,
    %get3A_8 = arith.constant 0 : i32
    %get3A_9 = arith.index_cast %get3A_8 : i32 to index
    %get3A_10 = arith.constant 32 : index
    %get3A_11 = tpu.vector_load %arg12[%get3A_9, %get3A_10] {strides = array<i32>} : memref<5x64xf32, #tpu.memory_space<vmem>>, vector<16xf32>,
    %get3A_12 = arith.constant 0 : i32
    %get3A_13 = arith.index_cast %get3A_12 : i32 to index
    %get3A_14 = arith.constant 48 : index
    %get3A_15 = tpu.vector_load %arg12[%get3A_13, %get3A_14] {strides = array<i32>} : memref<5x64xf32, #tpu.memory_space<vmem>>, vector<16xf32>,
    %get3A_16 = arith.constant 1 : i32
    %get3A_17 = arith.index_cast %get3A_16 : i32 to index
    %get3A_18 = arith.constant 0 : index
    %get3A_19 = tpu.vector_load %arg12[%get3A_17, %get3A_18] {strides = array<i32>} : memref<5x64xf32, #tpu.memory_space<vmem>>, vector<16xf32>,
    %get3A_20 = arith.constant 1 : i32
    %get3A_21 = arith.index_cast %get3A_20 : i32 to index
    %get3A_22 = arith.constant 16 : index
    %get3A_23 = tpu.vector_load %arg12[%get3A_21, %get3A_22] {strides = array<i32>} : memref<5x64xf32, #tpu.memory_space<vmem>>, vector<16xf32>,
    %get3A_24 = arith.constant 1 : i32
    %get3A_25 = arith.index_cast %get3A_24 : i32 to index
    %get3A_26 = arith.constant 32 : index
    %get3A_27 = tpu.vector_load %arg12[%get3A_25, %get3A_26] {strides = array<i32>} : memref<5x64xf32, #tpu.memory_space<vmem>>, vector<16xf32>,
    %get3A_28 = arith.constant 1 : i32
    %get3A_29 = arith.index_cast %get3A_28 : i32 to index
    %get3A_30 = arith.constant 48 : index
    %get3A_31 = tpu.vector_load %arg12[%get3A_29, %get3A_30] {strides = array<i32>} : memref<5x64xf32, #tpu.memory_space<vmem>>, vector<16xf32>,
    %get3A_32 = arith.constant 2 : i32
    %get3A_33 = arith.index_cast %get3A_32 : i32 to index
    %get3A_34 = arith.constant 0 : index
    %get3A_35 = tpu.vector_load %arg12[%get3A_33, %get3A_34] {strides = array<i32>} : memref<5x64xf32, #tpu.memory_space<vmem>>, vector<16xf32>,
    %get3A_36 = arith.constant 2 : i32
    %get3A_37 = arith.index_cast %get3A_36 : i32 to index
    %get3A_38 = arith.constant 16 : index
    %get3A_39 = tpu.vector_load %arg12[%get3A_37, %get3A_38] {strides = array<i32>} : memref<5x64xf32, #tpu.memory_space<vmem>>, vector<16xf32>,
    %get3A_40 = arith.constant 2 : i32
    %get3A_41 = arith.index_cast %get3A_40 : i32 to index
    %get3A_42 = arith.constant 32 : index
    %get3A_43 = tpu.vector_load %arg12[%get3A_41, %get3A_42] {strides = array<i32>} : memref<5x64xf32, #tpu.memory_space<vmem>>, vector<16xf32>,
    %get3A_44 = arith.constant 2 : i32
    %get3A_45 = arith.index_cast %get3A_44 : i32 to index
    %get3A_46 = arith.constant 48 : index
    %get3A_47 = tpu.vector_load %arg12[%get3A_45, %get3A_46] {strides = array<i32>} : memref<5x64xf32, #tpu.memory_space<vmem>>, vector<16xf32>,
    %get3A_48 = arith.constant 3 : i32
    %get3A_49 = arith.index_cast %get3A_48 : i32 to index
    %get3A_50 = arith.constant 0 : index
    %get3A_51 = tpu.vector_load %arg12[%get3A_49, %get3A_50] {strides = array<i32>} : memref<5x64xf32, #tpu.memory_space<vmem>>, vector<16xf32>,
    %get3A_52 = arith.constant 3 : i32
    %get3A_53 = arith.index_cast %get3A_52 : i32 to index
    %get3A_54 = arith.constant 16 : index
    %get3A_55 = tpu.vector_load %arg12[%get3A_53, %get3A_54] {strides = array<i32>} : memref<5x64xf32, #tpu.memory_space<vmem>>, vector<16xf32>,
    %get3A_56 = arith.constant 3 : i32
    %get3A_57 = arith.index_cast %get3A_56 : i32 to index
    %get3A_58 = arith.constant 32 : index
    %get3A_59 = tpu.vector_load %arg12[%get3A_57, %get3A_58] {strides = array<i32>} : memref<5x64xf32, #tpu.memory_space<vmem>>, vector<16xf32>,
    %get3A_60 = arith.constant 3 : i32
    %get3A_61 = arith.index_cast %get3A_60 : i32 to index
    %get3A_62 = arith.constant 48 : index
    %get3A_63 = tpu.vector_load %arg12[%get3A_61, %get3A_62] {strides = array<i32>} : memref<5x64xf32, #tpu.memory_space<vmem>>, vector<16xf32>,
    %get3A_64 = arith.constant 4 : i32
    %get3A_65 = arith.index_cast %get3A_64 : i32 to index
    %get3A_66 = arith.constant 0 : index
    %get3A_67 = tpu.vector_load %arg12[%get3A_65, %get3A_66] {strides = array<i32>} : memref<5x64xf32, #tpu.memory_space<vmem>>, vector<16xf32>,
    %get3A_68 = arith.constant 4 : i32
    %get3A_69 = arith.index_cast %get3A_68 : i32 to index
    %get3A_70 = arith.constant 16 : index
    %get3A_71 = tpu.vector_load %arg12[%get3A_69, %get3A_70] {strides = array<i32>} : memref<5x64xf32, #tpu.memory_space<vmem>>, vector<16xf32>,
    %get3A_72 = arith.constant 4 : i32
    %get3A_73 = arith.index_cast %get3A_72 : i32 to index
    %get3A_74 = arith.constant 32 : index
    %get3A_75 = tpu.vector_load %arg12[%get3A_73, %get3A_74] {strides = array<i32>} : memref<5x64xf32, #tpu.memory_space<vmem>>, vector<16xf32>,
    %get3A_76 = arith.constant 4 : i32
    %get3A_77 = arith.index_cast %get3A_76 : i32 to index
    %get3A_78 = arith.constant 48 : index
    %get3A_79 = tpu.vector_load %arg12[%get3A_77, %get3A_78] {strides = array<i32>} : memref<5x64xf32, #tpu.memory_space<vmem>>, vector<16xf32>,
    %iota3A = tpu.iota {dimensions = array<i32: 0>} : vector<16xi32>
    %eq3A = arith.constant 15 : i32
    %eq3A_80 = vector.broadcast %eq3A : i32 to vector<16xi32>
    %eq3A_81 = arith.cmpi eq, %iota3A, %eq3A_80 : vector<16xi32>
    %scan3A = arith.constant 0 : i32
    %scan3A_82 = arith.constant 0 : i32
    %scan3A_83 = arith.constant 31 : i32
    %scan3A_84 = arith.addi %scan3A_82, %scan3A_83 : i32
    %scan3A_85 = arith.constant 1 : i32
    scf.for %scan3A_87 = %scan3A_82 to %scan3A_84 step %scan3A_85  : i32 {
      %mul3A_88 = arith.constant 32 : i32
      %mul3A_89 = arith.muli %scan3A_87, %mul3A_88 : i32
      %add3A_90 = arith.addi %add3A, %mul3A_89 : i32
      %lt3A = arith.constant 977 : i32
      %lt3A_91 = arith.cmpi slt, %add3A_90, %lt3A : i32
      %convert_element_type3A = arith.extui %lt3A_91 : i1 to i32
      %cond3A = arith.constant 0 : i32
      %cond3A_92 = arith.cmpi ne, %convert_element_type3A, %cond3A : i32
      scf.if %cond3A_92 {
        %mul3A_93 = arith.constant 4 : i32
        %mul3A_94 = arith.muli %add3A_90, %mul3A_93 : i32
        "tpu.region"() ({
          %run_scoped3A = tpu.sem_alloc : memref<!tpu.dma_semaphore, #tpu.memory_space<semaphore_mem>>
          %dma_start3A_263 = arith.constant 0 : i32
          %dma_start3A_264 = tpu.memref_slice %arg4[%mul3A_94, %dma_start3A_263] : memref<3908x128xi32, #tpu.memory_space<hbm>> -> memref<4x128xi32, #tpu.memory_space<hbm>>
          %dma_start3A_265 = arith.constant 0 : i32
          %dma_start3A_266 = tpu.memref_slice %arg4[%mul3A_94, %dma_start3A_265] : memref<3908x128xi32, #tpu.memory_space<hbm>> -> memref<4x128xi32, #tpu.memory_space<hbm>>
          tpu.enqueue_dma source(%dma_start3A_266 : memref<4x128xi32, #tpu.memory_space<hbm>>) target(%arg8 : memref<4x128xi32, #tpu.memory_space<vmem>>) target_semaphore(%run_scoped3A : memref<!tpu.dma_semaphore, #tpu.memory_space<semaphore_mem>>)
          %dma_wait3A_267 = arith.constant 0 : i32
          %dma_wait3A_268 = tpu.memref_slice %arg4[%mul3A_94, %dma_wait3A_267] : memref<3908x128xi32, #tpu.memory_space<hbm>> -> memref<4x128xi32, #tpu.memory_space<hbm>>
          %dma_wait3A_269 = arith.constant 0 : i32
          %dma_wait3A_270 = tpu.memref_slice %arg4[%mul3A_94, %dma_wait3A_269] : memref<3908x128xi32, #tpu.memory_space<hbm>> -> memref<4x128xi32, #tpu.memory_space<hbm>>
          tpu.wait_dma2 semaphore(%run_scoped3A : memref<!tpu.dma_semaphore, #tpu.memory_space<semaphore_mem>>) src(%dma_wait3A_270 : memref<4x128xi32, #tpu.memory_space<hbm>>) dst(%arg8 : memref<4x128xi32, #tpu.memory_space<vmem>>)
          tpu.yield
        }) : () -> ()
        %mul3A_95 = arith.constant 4 : i32
        %mul3A_96 = arith.muli %add3A_90, %mul3A_95 : i32
        "tpu.region"() ({
          %run_scoped3A = tpu.sem_alloc : memref<!tpu.dma_semaphore, #tpu.memory_space<semaphore_mem>>
          %dma_start3A_263 = arith.constant 0 : i32
          %dma_start3A_264 = tpu.memref_slice %arg5[%mul3A_96, %dma_start3A_263] : memref<3908x128xi32, #tpu.memory_space<hbm>> -> memref<4x128xi32, #tpu.memory_space<hbm>>
          %dma_start3A_265 = arith.constant 0 : i32
          %dma_start3A_266 = tpu.memref_slice %arg5[%mul3A_96, %dma_start3A_265] : memref<3908x128xi32, #tpu.memory_space<hbm>> -> memref<4x128xi32, #tpu.memory_space<hbm>>
          tpu.enqueue_dma source(%dma_start3A_266 : memref<4x128xi32, #tpu.memory_space<hbm>>) target(%arg9 : memref<4x128xi32, #tpu.memory_space<vmem>>) target_semaphore(%run_scoped3A : memref<!tpu.dma_semaphore, #tpu.memory_space<semaphore_mem>>)
          %dma_wait3A_267 = arith.constant 0 : i32
          %dma_wait3A_268 = tpu.memref_slice %arg5[%mul3A_96, %dma_wait3A_267] : memref<3908x128xi32, #tpu.memory_space<hbm>> -> memref<4x128xi32, #tpu.memory_space<hbm>>
          %dma_wait3A_269 = arith.constant 0 : i32
          %dma_wait3A_270 = tpu.memref_slice %arg5[%mul3A_96, %dma_wait3A_269] : memref<3908x128xi32, #tpu.memory_space<hbm>> -> memref<4x128xi32, #tpu.memory_space<hbm>>
          tpu.wait_dma2 semaphore(%run_scoped3A : memref<!tpu.dma_semaphore, #tpu.memory_space<semaphore_mem>>) src(%dma_wait3A_270 : memref<4x128xi32, #tpu.memory_space<hbm>>) dst(%arg9 : memref<4x128xi32, #tpu.memory_space<vmem>>)
          tpu.yield
        }) : () -> ()
        %dma_start3A = arith.constant 0 : i32
        %dma_start3A_97 = arith.constant 0 : i32
        %dma_start3A_98 = arith.constant 0 : i32
        %dma_start3A_99 = tpu.memref_slice %arg10[%dma_start3A_97, %dma_start3A_98] : memref<512x64xf32, #tpu.memory_space<vmem>> -> memref<128x64xf32, #tpu.memory_space<vmem>>
        %dma_start3A_100 = arith.constant 0 : i32
        %dma_start3A_101 = tpu.memref_slice %arg8[%dma_start3A, %dma_start3A_100] : memref<4x128xi32, #tpu.memory_space<vmem>> -> memref<1x128xi32, #tpu.memory_space<vmem>>
        %dma_start3A_102 = tpu.memref_squeeze %dma_start3A_101 : memref<1x128xi32, #tpu.memory_space<vmem>> -> memref<128xi32, #tpu.memory_space<vmem>>
        %dma_start3A_103 = arith.constant 0 : i32
        %dma_start3A_104 = arith.constant 0 : i32
        %dma_start3A_105 = tpu.memref_slice %arg2[%dma_start3A_103, %dma_start3A_104] : memref<100000x64xf32, #tpu.memory_space<hbm>> -> memref<100000x64xf32, #tpu.memory_space<hbm>>
        tpu.enqueue_indirect_dma source(%dma_start3A_105 : memref<100000x64xf32, #tpu.memory_space<hbm>>) target(%dma_start3A_99 : memref<128x64xf32, #tpu.memory_space<vmem>>) offsets(%dma_start3A_102 : memref<128xi32, #tpu.memory_space<vmem>>) semaphore(%arg14 : memref<!tpu.dma_semaphore, #tpu.memory_space<semaphore_mem>>)
        %dma_start3A_106 = arith.constant 0 : i32
        %dma_start3A_107 = arith.constant 0 : i32
        %dma_start3A_108 = arith.constant 0 : i32
        %dma_start3A_109 = tpu.memref_slice %arg11[%dma_start3A_107, %dma_start3A_108] : memref<512x64xf32, #tpu.memory_space<vmem>> -> memref<128x64xf32, #tpu.memory_space<vmem>>
        %dma_start3A_110 = arith.constant 0 : i32
        %dma_start3A_111 = tpu.memref_slice %arg9[%dma_start3A_106, %dma_start3A_110] : memref<4x128xi32, #tpu.memory_space<vmem>> -> memref<1x128xi32, #tpu.memory_space<vmem>>
        %dma_start3A_112 = tpu.memref_squeeze %dma_start3A_111 : memref<1x128xi32, #tpu.memory_space<vmem>> -> memref<128xi32, #tpu.memory_space<vmem>>
        %dma_start3A_113 = arith.constant 0 : i32
        %dma_start3A_114 = arith.constant 0 : i32
        %dma_start3A_115 = tpu.memref_slice %arg3[%dma_start3A_113, %dma_start3A_114] : memref<20000x64xf32, #tpu.memory_space<hbm>> -> memref<20000x64xf32, #tpu.memory_space<hbm>>
        tpu.enqueue_indirect_dma source(%dma_start3A_115 : memref<20000x64xf32, #tpu.memory_space<hbm>>) target(%dma_start3A_109 : memref<128x64xf32, #tpu.memory_space<vmem>>) offsets(%dma_start3A_112 : memref<128xi32, #tpu.memory_space<vmem>>) semaphore(%arg14 : memref<!tpu.dma_semaphore, #tpu.memory_space<semaphore_mem>>)
        %dma_start3A_116 = arith.constant 1 : i32
        %dma_start3A_117 = arith.constant 128 : i32
        %dma_start3A_118 = arith.constant 0 : i32
        %dma_start3A_119 = tpu.memref_slice %arg10[%dma_start3A_117, %dma_start3A_118] : memref<512x64xf32, #tpu.memory_space<vmem>> -> memref<128x64xf32, #tpu.memory_space<vmem>>
        %dma_start3A_120 = arith.constant 0 : i32
        %dma_start3A_121 = tpu.memref_slice %arg8[%dma_start3A_116, %dma_start3A_120] : memref<4x128xi32, #tpu.memory_space<vmem>> -> memref<1x128xi32, #tpu.memory_space<vmem>>
        %dma_start3A_122 = tpu.memref_squeeze %dma_start3A_121 : memref<1x128xi32, #tpu.memory_space<vmem>> -> memref<128xi32, #tpu.memory_space<vmem>>
        %dma_start3A_123 = arith.constant 0 : i32
        %dma_start3A_124 = arith.constant 0 : i32
        %dma_start3A_125 = tpu.memref_slice %arg2[%dma_start3A_123, %dma_start3A_124] : memref<100000x64xf32, #tpu.memory_space<hbm>> -> memref<100000x64xf32, #tpu.memory_space<hbm>>
        tpu.enqueue_indirect_dma source(%dma_start3A_125 : memref<100000x64xf32, #tpu.memory_space<hbm>>) target(%dma_start3A_119 : memref<128x64xf32, #tpu.memory_space<vmem>>) offsets(%dma_start3A_122 : memref<128xi32, #tpu.memory_space<vmem>>) semaphore(%arg14 : memref<!tpu.dma_semaphore, #tpu.memory_space<semaphore_mem>>)
        %dma_start3A_126 = arith.constant 1 : i32
        %dma_start3A_127 = arith.constant 128 : i32
        %dma_start3A_128 = arith.constant 0 : i32
        %dma_start3A_129 = tpu.memref_slice %arg11[%dma_start3A_127, %dma_start3A_128] : memref<512x64xf32, #tpu.memory_space<vmem>> -> memref<128x64xf32, #tpu.memory_space<vmem>>
        %dma_start3A_130 = arith.constant 0 : i32
        %dma_start3A_131 = tpu.memref_slice %arg9[%dma_start3A_126, %dma_start3A_130] : memref<4x128xi32, #tpu.memory_space<vmem>> -> memref<1x128xi32, #tpu.memory_space<vmem>>
        %dma_start3A_132 = tpu.memref_squeeze %dma_start3A_131 : memref<1x128xi32, #tpu.memory_space<vmem>> -> memref<128xi32, #tpu.memory_space<vmem>>
        %dma_start3A_133 = arith.constant 0 : i32
        %dma_start3A_134 = arith.constant 0 : i32
        %dma_start3A_135 = tpu.memref_slice %arg3[%dma_start3A_133, %dma_start3A_134] : memref<20000x64xf32, #tpu.memory_space<hbm>> -> memref<20000x64xf32, #tpu.memory_space<hbm>>
        tpu.enqueue_indirect_dma source(%dma_start3A_135 : memref<20000x64xf32, #tpu.memory_space<hbm>>) target(%dma_start3A_129 : memref<128x64xf32, #tpu.memory_space<vmem>>) offsets(%dma_start3A_132 : memref<128xi32, #tpu.memory_space<vmem>>) semaphore(%arg14 : memref<!tpu.dma_semaphore, #tpu.memory_space<semaphore_mem>>)
        %dma_start3A_136 = arith.constant 2 : i32
        %dma_start3A_137 = arith.constant 256 : i32
        %dma_start3A_138 = arith.constant 0 : i32
        %dma_start3A_139 = tpu.memref_slice %arg10[%dma_start3A_137, %dma_start3A_138] : memref<512x64xf32, #tpu.memory_space<vmem>> -> memref<128x64xf32, #tpu.memory_space<vmem>>
        %dma_start3A_140 = arith.constant 0 : i32
        %dma_start3A_141 = tpu.memref_slice %arg8[%dma_start3A_136, %dma_start3A_140] : memref<4x128xi32, #tpu.memory_space<vmem>> -> memref<1x128xi32, #tpu.memory_space<vmem>>
        %dma_start3A_142 = tpu.memref_squeeze %dma_start3A_141 : memref<1x128xi32, #tpu.memory_space<vmem>> -> memref<128xi32, #tpu.memory_space<vmem>>
        %dma_start3A_143 = arith.constant 0 : i32
        %dma_start3A_144 = arith.constant 0 : i32
        %dma_start3A_145 = tpu.memref_slice %arg2[%dma_start3A_143, %dma_start3A_144] : memref<100000x64xf32, #tpu.memory_space<hbm>> -> memref<100000x64xf32, #tpu.memory_space<hbm>>
        tpu.enqueue_indirect_dma source(%dma_start3A_145 : memref<100000x64xf32, #tpu.memory_space<hbm>>) target(%dma_start3A_139 : memref<128x64xf32, #tpu.memory_space<vmem>>) offsets(%dma_start3A_142 : memref<128xi32, #tpu.memory_space<vmem>>) semaphore(%arg14 : memref<!tpu.dma_semaphore, #tpu.memory_space<semaphore_mem>>)
        %dma_start3A_146 = arith.constant 2 : i32
        %dma_start3A_147 = arith.constant 256 : i32
        %dma_start3A_148 = arith.constant 0 : i32
        %dma_start3A_149 = tpu.memref_slice %arg11[%dma_start3A_147, %dma_start3A_148] : memref<512x64xf32, #tpu.memory_space<vmem>> -> memref<128x64xf32, #tpu.memory_space<vmem>>
        %dma_start3A_150 = arith.constant 0 : i32
        %dma_start3A_151 = tpu.memref_slice %arg9[%dma_start3A_146, %dma_start3A_150] : memref<4x128xi32, #tpu.memory_space<vmem>> -> memref<1x128xi32, #tpu.memory_space<vmem>>
        %dma_start3A_152 = tpu.memref_squeeze %dma_start3A_151 : memref<1x128xi32, #tpu.memory_space<vmem>> -> memref<128xi32, #tpu.memory_space<vmem>>
        %dma_start3A_153 = arith.constant 0 : i32
        %dma_start3A_154 = arith.constant 0 : i32
        %dma_start3A_155 = tpu.memref_slice %arg3[%dma_start3A_153, %dma_start3A_154] : memref<20000x64xf32, #tpu.memory_space<hbm>> -> memref<20000x64xf32, #tpu.memory_space<hbm>>
        tpu.enqueue_indirect_dma source(%dma_start3A_155 : memref<20000x64xf32, #tpu.memory_space<hbm>>) target(%dma_start3A_149 : memref<128x64xf32, #tpu.memory_space<vmem>>) offsets(%dma_start3A_152 : memref<128xi32, #tpu.memory_space<vmem>>) semaphore(%arg14 : memref<!tpu.dma_semaphore, #tpu.memory_space<semaphore_mem>>)
        %dma_start3A_156 = arith.constant 3 : i32
        %dma_start3A_157 = arith.constant 384 : i32
        %dma_start3A_158 = arith.constant 0 : i32
        %dma_start3A_159 = tpu.memref_slice %arg10[%dma_start3A_157, %dma_start3A_158] : memref<512x64xf32, #tpu.memory_space<vmem>> -> memref<128x64xf32, #tpu.memory_space<vmem>>
        %dma_start3A_160 = arith.constant 0 : i32
        %dma_start3A_161 = tpu.memref_slice %arg8[%dma_start3A_156, %dma_start3A_160] : memref<4x128xi32, #tpu.memory_space<vmem>> -> memref<1x128xi32, #tpu.memory_space<vmem>>
        %dma_start3A_162 = tpu.memref_squeeze %dma_start3A_161 : memref<1x128xi32, #tpu.memory_space<vmem>> -> memref<128xi32, #tpu.memory_space<vmem>>
        %dma_start3A_163 = arith.constant 0 : i32
        %dma_start3A_164 = arith.constant 0 : i32
        %dma_start3A_165 = tpu.memref_slice %arg2[%dma_start3A_163, %dma_start3A_164] : memref<100000x64xf32, #tpu.memory_space<hbm>> -> memref<100000x64xf32, #tpu.memory_space<hbm>>
        tpu.enqueue_indirect_dma source(%dma_start3A_165 : memref<100000x64xf32, #tpu.memory_space<hbm>>) target(%dma_start3A_159 : memref<128x64xf32, #tpu.memory_space<vmem>>) offsets(%dma_start3A_162 : memref<128xi32, #tpu.memory_space<vmem>>) semaphore(%arg14 : memref<!tpu.dma_semaphore, #tpu.memory_space<semaphore_mem>>)
        %dma_start3A_166 = arith.constant 3 : i32
        %dma_start3A_167 = arith.constant 384 : i32
        %dma_start3A_168 = arith.constant 0 : i32
        %dma_start3A_169 = tpu.memref_slice %arg11[%dma_start3A_167, %dma_start3A_168] : memref<512x64xf32, #tpu.memory_space<vmem>> -> memref<128x64xf32, #tpu.memory_space<vmem>>
        %dma_start3A_170 = arith.constant 0 : i32
        %dma_start3A_171 = tpu.memref_slice %arg9[%dma_start3A_166, %dma_start3A_170] : memref<4x128xi32, #tpu.memory_space<vmem>> -> memref<1x128xi32, #tpu.memory_space<vmem>>
        %dma_start3A_172 = tpu.memref_squeeze %dma_start3A_171 : memref<1x128xi32, #tpu.memory_space<vmem>> -> memref<128xi32, #tpu.memory_space<vmem>>
        %dma_start3A_173 = arith.constant 0 : i32
        %dma_start3A_174 = arith.constant 0 : i32
        %dma_start3A_175 = tpu.memref_slice %arg3[%dma_start3A_173, %dma_start3A_174] : memref<20000x64xf32, #tpu.memory_space<hbm>> -> memref<20000x64xf32, #tpu.memory_space<hbm>>
        tpu.enqueue_indirect_dma source(%dma_start3A_175 : memref<20000x64xf32, #tpu.memory_space<hbm>>) target(%dma_start3A_169 : memref<128x64xf32, #tpu.memory_space<vmem>>) offsets(%dma_start3A_172 : memref<128xi32, #tpu.memory_space<vmem>>) semaphore(%arg14 : memref<!tpu.dma_semaphore, #tpu.memory_space<semaphore_mem>>)
        %dma_wait3A = arith.constant 0 : i32
        %dma_wait3A_176 = arith.constant 0 : i32
        %dma_wait3A_177 = arith.constant 0 : i32
        %dma_wait3A_178 = tpu.memref_slice %arg10[%dma_wait3A_176, %dma_wait3A_177] : memref<512x64xf32, #tpu.memory_space<vmem>> -> memref<128x64xf32, #tpu.memory_space<vmem>>
        %dma_wait3A_179 = arith.constant 0 : i32
        %dma_wait3A_180 = tpu.memref_slice %arg8[%dma_wait3A, %dma_wait3A_179] : memref<4x128xi32, #tpu.memory_space<vmem>> -> memref<1x128xi32, #tpu.memory_space<vmem>>
        %dma_wait3A_181 = tpu.memref_squeeze %dma_wait3A_180 : memref<1x128xi32, #tpu.memory_space<vmem>> -> memref<128xi32, #tpu.memory_space<vmem>>
        %dma_wait3A_182 = arith.constant 0 : i32
        %dma_wait3A_183 = arith.constant 0 : i32
        %dma_wait3A_184 = tpu.memref_slice %arg2[%dma_wait3A_182, %dma_wait3A_183] : memref<100000x64xf32, #tpu.memory_space<hbm>> -> memref<100000x64xf32, #tpu.memory_space<hbm>>
        tpu.wait_indirect_dma semaphore(%arg14 : memref<!tpu.dma_semaphore, #tpu.memory_space<semaphore_mem>>) src(%dma_wait3A_184 : memref<100000x64xf32, #tpu.memory_space<hbm>>) dst(%dma_wait3A_178 : memref<128x64xf32, #tpu.memory_space<vmem>>)
        %dma_wait3A_185 = arith.constant 0 : i32
        %dma_wait3A_186 = arith.constant 0 : i32
        %dma_wait3A_187 = arith.constant 0 : i32
        %dma_wait3A_188 = tpu.memref_slice %arg11[%dma_wait3A_186, %dma_wait3A_187] : memref<512x64xf32, #tpu.memory_space<vmem>> -> memref<128x64xf32, #tpu.memory_space<vmem>>
        %dma_wait3A_189 = arith.constant 0 : i32
        %dma_wait3A_190 = tpu.memref_slice %arg9[%dma_wait3A_185, %dma_wait3A_189] : memref<4x128xi32, #tpu.memory_space<vmem>> -> memref<1x128xi32, #tpu.memory_space<vmem>>
        %dma_wait3A_191 = tpu.memref_squeeze %dma_wait3A_190 : memref<1x128xi32, #tpu.memory_space<vmem>> -> memref<128xi32, #tpu.memory_space<vmem>>
        %dma_wait3A_192 = arith.constant 0 : i32
        %dma_wait3A_193 = arith.constant 0 : i32
        %dma_wait3A_194 = tpu.memref_slice %arg3[%dma_wait3A_192, %dma_wait3A_193] : memref<20000x64xf32, #tpu.memory_space<hbm>> -> memref<20000x64xf32, #tpu.memory_space<hbm>>
        tpu.wait_indirect_dma semaphore(%arg14 : memref<!tpu.dma_semaphore, #tpu.memory_space<semaphore_mem>>) src(%dma_wait3A_194 : memref<20000x64xf32, #tpu.memory_space<hbm>>) dst(%dma_wait3A_188 : memref<128x64xf32, #tpu.memory_space<vmem>>)
        %dma_wait3A_195 = arith.constant 1 : i32
        %dma_wait3A_196 = arith.constant 128 : i32
        %dma_wait3A_197 = arith.constant 0 : i32
        %dma_wait3A_198 = tpu.memref_slice %arg10[%dma_wait3A_196, %dma_wait3A_197] : memref<512x64xf32, #tpu.memory_space<vmem>> -> memref<128x64xf32, #tpu.memory_space<vmem>>
        %dma_wait3A_199 = arith.constant 0 : i32
        %dma_wait3A_200 = tpu.memref_slice %arg8[%dma_wait3A_195, %dma_wait3A_199] : memref<4x128xi32, #tpu.memory_space<vmem>> -> memref<1x128xi32, #tpu.memory_space<vmem>>
        %dma_wait3A_201 = tpu.memref_squeeze %dma_wait3A_200 : memref<1x128xi32, #tpu.memory_space<vmem>> -> memref<128xi32, #tpu.memory_space<vmem>>
        %dma_wait3A_202 = arith.constant 0 : i32
        %dma_wait3A_203 = arith.constant 0 : i32
        %dma_wait3A_204 = tpu.memref_slice %arg2[%dma_wait3A_202, %dma_wait3A_203] : memref<100000x64xf32, #tpu.memory_space<hbm>> -> memref<100000x64xf32, #tpu.memory_space<hbm>>
        tpu.wait_indirect_dma semaphore(%arg14 : memref<!tpu.dma_semaphore, #tpu.memory_space<semaphore_mem>>) src(%dma_wait3A_204 : memref<100000x64xf32, #tpu.memory_space<hbm>>) dst(%dma_wait3A_198 : memref<128x64xf32, #tpu.memory_space<vmem>>)
        %dma_wait3A_205 = arith.constant 1 : i32
        %dma_wait3A_206 = arith.constant 128 : i32
        %dma_wait3A_207 = arith.constant 0 : i32
        %dma_wait3A_208 = tpu.memref_slice %arg11[%dma_wait3A_206, %dma_wait3A_207] : memref<512x64xf32, #tpu.memory_space<vmem>> -> memref<128x64xf32, #tpu.memory_space<vmem>>
        %dma_wait3A_209 = arith.constant 0 : i32
        %dma_wait3A_210 = tpu.memref_slice %arg9[%dma_wait3A_205, %dma_wait3A_209] : memref<4x128xi32, #tpu.memory_space<vmem>> -> memref<1x128xi32, #tpu.memory_space<vmem>>
        %dma_wait3A_211 = tpu.memref_squeeze %dma_wait3A_210 : memref<1x128xi32, #tpu.memory_space<vmem>> -> memref<128xi32, #tpu.memory_space<vmem>>
        %dma_wait3A_212 = arith.constant 0 : i32
        %dma_wait3A_213 = arith.constant 0 : i32
        %dma_wait3A_214 = tpu.memref_slice %arg3[%dma_wait3A_212, %dma_wait3A_213] : memref<20000x64xf32, #tpu.memory_space<hbm>> -> memref<20000x64xf32, #tpu.memory_space<hbm>>
        tpu.wait_indirect_dma semaphore(%arg14 : memref<!tpu.dma_semaphore, #tpu.memory_space<semaphore_mem>>) src(%dma_wait3A_214 : memref<20000x64xf32, #tpu.memory_space<hbm>>) dst(%dma_wait3A_208 : memref<128x64xf32, #tpu.memory_space<vmem>>)
        %dma_wait3A_215 = arith.constant 2 : i32
        %dma_wait3A_216 = arith.constant 256 : i32
        %dma_wait3A_217 = arith.constant 0 : i32
        %dma_wait3A_218 = tpu.memref_slice %arg10[%dma_wait3A_216, %dma_wait3A_217] : memref<512x64xf32, #tpu.memory_space<vmem>> -> memref<128x64xf32, #tpu.memory_space<vmem>>
        %dma_wait3A_219 = arith.constant 0 : i32
        %dma_wait3A_220 = tpu.memref_slice %arg8[%dma_wait3A_215, %dma_wait3A_219] : memref<4x128xi32, #tpu.memory_space<vmem>> -> memref<1x128xi32, #tpu.memory_space<vmem>>
        %dma_wait3A_221 = tpu.memref_squeeze %dma_wait3A_220 : memref<1x128xi32, #tpu.memory_space<vmem>> -> memref<128xi32, #tpu.memory_space<vmem>>
        %dma_wait3A_222 = arith.constant 0 : i32
        %dma_wait3A_223 = arith.constant 0 : i32
        %dma_wait3A_224 = tpu.memref_slice %arg2[%dma_wait3A_222, %dma_wait3A_223] : memref<100000x64xf32, #tpu.memory_space<hbm>> -> memref<100000x64xf32, #tpu.memory_space<hbm>>
        tpu.wait_indirect_dma semaphore(%arg14 : memref<!tpu.dma_semaphore, #tpu.memory_space<semaphore_mem>>) src(%dma_wait3A_224 : memref<100000x64xf32, #tpu.memory_space<hbm>>) dst(%dma_wait3A_218 : memref<128x64xf32, #tpu.memory_space<vmem>>)
        %dma_wait3A_225 = arith.constant 2 : i32
        %dma_wait3A_226 = arith.constant 256 : i32
        %dma_wait3A_227 = arith.constant 0 : i32
        %dma_wait3A_228 = tpu.memref_slice %arg11[%dma_wait3A_226, %dma_wait3A_227] : memref<512x64xf32, #tpu.memory_space<vmem>> -> memref<128x64xf32, #tpu.memory_space<vmem>>
        %dma_wait3A_229 = arith.constant 0 : i32
        %dma_wait3A_230 = tpu.memref_slice %arg9[%dma_wait3A_225, %dma_wait3A_229] : memref<4x128xi32, #tpu.memory_space<vmem>> -> memref<1x128xi32, #tpu.memory_space<vmem>>
        %dma_wait3A_231 = tpu.memref_squeeze %dma_wait3A_230 : memref<1x128xi32, #tpu.memory_space<vmem>> -> memref<128xi32, #tpu.memory_space<vmem>>
        %dma_wait3A_232 = arith.constant 0 : i32
        %dma_wait3A_233 = arith.constant 0 : i32
        %dma_wait3A_234 = tpu.memref_slice %arg3[%dma_wait3A_232, %dma_wait3A_233] : memref<20000x64xf32, #tpu.memory_space<hbm>> -> memref<20000x64xf32, #tpu.memory_space<hbm>>
        tpu.wait_indirect_dma semaphore(%arg14 : memref<!tpu.dma_semaphore, #tpu.memory_space<semaphore_mem>>) src(%dma_wait3A_234 : memref<20000x64xf32, #tpu.memory_space<hbm>>) dst(%dma_wait3A_228 : memref<128x64xf32, #tpu.memory_space<vmem>>)
        %dma_wait3A_235 = arith.constant 3 : i32
        %dma_wait3A_236 = arith.constant 384 : i32
        %dma_wait3A_237 = arith.constant 0 : i32
        %dma_wait3A_238 = tpu.memref_slice %arg10[%dma_wait3A_236, %dma_wait3A_237] : memref<512x64xf32, #tpu.memory_space<vmem>> -> memref<128x64xf32, #tpu.memory_space<vmem>>
        %dma_wait3A_239 = arith.constant 0 : i32
        %dma_wait3A_240 = tpu.memref_slice %arg8[%dma_wait3A_235, %dma_wait3A_239] : memref<4x128xi32, #tpu.memory_space<vmem>> -> memref<1x128xi32, #tpu.memory_space<vmem>>
        %dma_wait3A_241 = tpu.memref_squeeze %dma_wait3A_240 : memref<1x128xi32, #tpu.memory_space<vmem>> -> memref<128xi32, #tpu.memory_space<vmem>>
        %dma_wait3A_242 = arith.constant 0 : i32
        %dma_wait3A_243 = arith.constant 0 : i32
        %dma_wait3A_244 = tpu.memref_slice %arg2[%dma_wait3A_242, %dma_wait3A_243] : memref<100000x64xf32, #tpu.memory_space<hbm>> -> memref<100000x64xf32, #tpu.memory_space<hbm>>
        tpu.wait_indirect_dma semaphore(%arg14 : memref<!tpu.dma_semaphore, #tpu.memory_space<semaphore_mem>>) src(%dma_wait3A_244 : memref<100000x64xf32, #tpu.memory_space<hbm>>) dst(%dma_wait3A_238 : memref<128x64xf32, #tpu.memory_space<vmem>>)
        %dma_wait3A_245 = arith.constant 3 : i32
        %dma_wait3A_246 = arith.constant 384 : i32
        %dma_wait3A_247 = arith.constant 0 : i32
        %dma_wait3A_248 = tpu.memref_slice %arg11[%dma_wait3A_246, %dma_wait3A_247] : memref<512x64xf32, #tpu.memory_space<vmem>> -> memref<128x64xf32, #tpu.memory_space<vmem>>
        %dma_wait3A_249 = arith.constant 0 : i32
        %dma_wait3A_250 = tpu.memref_slice %arg9[%dma_wait3A_245, %dma_wait3A_249] : memref<4x128xi32, #tpu.memory_space<vmem>> -> memref<1x128xi32, #tpu.memory_space<vmem>>
        %dma_wait3A_251 = tpu.memref_squeeze %dma_wait3A_250 : memref<1x128xi32, #tpu.memory_space<vmem>> -> memref<128xi32, #tpu.memory_space<vmem>>
        %dma_wait3A_252 = arith.constant 0 : i32
        %dma_wait3A_253 = arith.constant 0 : i32
        %dma_wait3A_254 = tpu.memref_slice %arg3[%dma_wait3A_252, %dma_wait3A_253] : memref<20000x64xf32, #tpu.memory_space<hbm>> -> memref<20000x64xf32, #tpu.memory_space<hbm>>
        tpu.wait_indirect_dma semaphore(%arg14 : memref<!tpu.dma_semaphore, #tpu.memory_space<semaphore_mem>>) src(%dma_wait3A_254 : memref<20000x64xf32, #tpu.memory_space<hbm>>) dst(%dma_wait3A_248 : memref<128x64xf32, #tpu.memory_space<vmem>>)
        %scan3A_255 = arith.constant 0 : i32
        %scan3A_256 = arith.constant 0 : i32
        %scan3A_257 = arith.constant 512 : i32
        %scan3A_258 = arith.addi %scan3A_256, %scan3A_257 : i32
        %scan3A_259 = arith.constant 1 : i32
        scf.for %scan3A_263 = %scan3A_256 to %scan3A_258 step %scan3A_259  : i32 {
          %get3A_264 = arith.index_cast %scan3A_263 : i32 to index
          %get3A_265 = arith.constant 0 : index
          %get3A_266 = tpu.vector_load %arg10[%get3A_264, %get3A_265] {strides = array<i32>} : memref<512x64xf32, #tpu.memory_space<vmem>>, vector<16xf32>,
          %get3A_267 = arith.index_cast %scan3A_263 : i32 to index
          %get3A_268 = arith.constant 0 : index
          %get3A_269 = tpu.vector_load %arg11[%get3A_267, %get3A_268] {strides = array<i32>} : memref<512x64xf32, #tpu.memory_space<vmem>>, vector<16xf32>,
          %mul3A_270 = arith.mulf %get3A_266, %get3A_269 : vector<16xf32>
          %get3A_271 = arith.index_cast %scan3A_263 : i32 to index
          %get3A_272 = arith.constant 16 : index
          %get3A_273 = tpu.vector_load %arg10[%get3A_271, %get3A_272] {strides = array<i32>} : memref<512x64xf32, #tpu.memory_space<vmem>>, vector<16xf32>,
          %get3A_274 = arith.index_cast %scan3A_263 : i32 to index
          %get3A_275 = arith.constant 16 : index
          %get3A_276 = tpu.vector_load %arg11[%get3A_274, %get3A_275] {strides = array<i32>} : memref<512x64xf32, #tpu.memory_space<vmem>>, vector<16xf32>,
          %mul3A_277 = arith.mulf %get3A_273, %get3A_276 : vector<16xf32>
          %get3A_278 = arith.index_cast %scan3A_263 : i32 to index
          %get3A_279 = arith.constant 32 : index
          %get3A_280 = tpu.vector_load %arg10[%get3A_278, %get3A_279] {strides = array<i32>} : memref<512x64xf32, #tpu.memory_space<vmem>>, vector<16xf32>,
          %get3A_281 = arith.index_cast %scan3A_263 : i32 to index
          %get3A_282 = arith.constant 32 : index
          %get3A_283 = tpu.vector_load %arg11[%get3A_281, %get3A_282] {strides = array<i32>} : memref<512x64xf32, #tpu.memory_space<vmem>>, vector<16xf32>,
          %mul3A_284 = arith.mulf %get3A_280, %get3A_283 : vector<16xf32>
          %get3A_285 = arith.index_cast %scan3A_263 : i32 to index
          %get3A_286 = arith.constant 48 : index
          %get3A_287 = tpu.vector_load %arg10[%get3A_285, %get3A_286] {strides = array<i32>} : memref<512x64xf32, #tpu.memory_space<vmem>>, vector<16xf32>,
          %get3A_288 = arith.index_cast %scan3A_263 : i32 to index
          %get3A_289 = arith.constant 48 : index
          %get3A_290 = tpu.vector_load %arg11[%get3A_288, %get3A_289] {strides = array<i32>} : memref<512x64xf32, #tpu.memory_space<vmem>>, vector<16xf32>,
          %mul3A_291 = arith.mulf %get3A_287, %get3A_290 : vector<16xf32>
          %mul3A_292 = arith.mulf %mul3A_270, %get3A_3 : vector<16xf32>
          %mul3A_293 = arith.mulf %mul3A_277, %get3A_7 : vector<16xf32>
          %add3A_294 = arith.addf %mul3A_292, %mul3A_293 : vector<16xf32>
          %mul3A_295 = arith.mulf %mul3A_284, %get3A_11 : vector<16xf32>
          %add3A_296 = arith.addf %add3A_294, %mul3A_295 : vector<16xf32>
          %mul3A_297 = arith.mulf %mul3A_291, %get3A_15 : vector<16xf32>
          %add3A_298 = arith.addf %add3A_296, %mul3A_297 : vector<16xf32>
          %broadcast_in_dim3A = arith.constant true
          %broadcast_in_dim3A_299 = vector.broadcast %broadcast_in_dim3A : i1 to vector<16xi1>
          %masked_cumsum3A = tpu.scan <sum>, %add3A_298 masked %broadcast_in_dim3A_299 : vector<16xf32>, vector<16xi1> -> vector<16xf32>
          %mul3A_300 = arith.constant 5 : i32
          %mul3A_301 = arith.muli %scan3A_263, %mul3A_300 : i32
          %add3A_302 = arith.constant 0 : i32
          %add3A_303 = arith.addi %mul3A_301, %add3A_302 : i32
          %swap3A = arith.index_cast %add3A_303 : i32 to index
          %swap3A_304 = tpu.vector_load %arg13[%swap3A] masked %eq3A_81 {strides = array<i32>} : memref<2576xf32, #tpu.memory_space<vmem>>, vector<16xf32>, vector<16xi1>
          tpu.vector_store %arg13[%swap3A], %masked_cumsum3A masked %eq3A_81 {strides = array<i32>} : memref<2576xf32, #tpu.memory_space<vmem>>, vector<16xf32>, vector<16xi1>
          %mul3A_305 = arith.mulf %mul3A_270, %get3A_19 : vector<16xf32>
          %mul3A_306 = arith.mulf %mul3A_277, %get3A_23 : vector<16xf32>
          %add3A_307 = arith.addf %mul3A_305, %mul3A_306 : vector<16xf32>
          %mul3A_308 = arith.mulf %mul3A_284, %get3A_27 : vector<16xf32>
          %add3A_309 = arith.addf %add3A_307, %mul3A_308 : vector<16xf32>
          %mul3A_310 = arith.mulf %mul3A_291, %get3A_31 : vector<16xf32>
          %add3A_311 = arith.addf %add3A_309, %mul3A_310 : vector<16xf32>
          %broadcast_in_dim3A_312 = arith.constant true
          %broadcast_in_dim3A_313 = vector.broadcast %broadcast_in_dim3A_312 : i1 to vector<16xi1>
          %masked_cumsum3A_314 = tpu.scan <sum>, %add3A_311 masked %broadcast_in_dim3A_313 : vector<16xf32>, vector<16xi1> -> vector<16xf32>
          %mul3A_315 = arith.constant 5 : i32
          %mul3A_316 = arith.muli %scan3A_263, %mul3A_315 : i32
          %add3A_317 = arith.constant 1 : i32
          %add3A_318 = arith.addi %mul3A_316, %add3A_317 : i32
          %swap3A_319 = arith.index_cast %add3A_318 : i32 to index
          %swap3A_320 = tpu.vector_load %arg13[%swap3A_319] masked %eq3A_81 {strides = array<i32>} : memref<2576xf32, #tpu.memory_space<vmem>>, vector<16xf32>, vector<16xi1>
          tpu.vector_store %arg13[%swap3A_319], %masked_cumsum3A_314 masked %eq3A_81 {strides = array<i32>} : memref<2576xf32, #tpu.memory_space<vmem>>, vector<16xf32>, vector<16xi1>
          %mul3A_321 = arith.mulf %mul3A_270, %get3A_35 : vector<16xf32>
          %mul3A_322 = arith.mulf %mul3A_277, %get3A_39 : vector<16xf32>
          %add3A_323 = arith.addf %mul3A_321, %mul3A_322 : vector<16xf32>
          %mul3A_324 = arith.mulf %mul3A_284, %get3A_43 : vector<16xf32>
          %add3A_325 = arith.addf %add3A_323, %mul3A_324 : vector<16xf32>
          %mul3A_326 = arith.mulf %mul3A_291, %get3A_47 : vector<16xf32>
          %add3A_327 = arith.addf %add3A_325, %mul3A_326 : vector<16xf32>
          %broadcast_in_dim3A_328 = arith.constant true
          %broadcast_in_dim3A_329 = vector.broadcast %broadcast_in_dim3A_328 : i1 to vector<16xi1>
          %masked_cumsum3A_330 = tpu.scan <sum>, %add3A_327 masked %broadcast_in_dim3A_329 : vector<16xf32>, vector<16xi1> -> vector<16xf32>
          %mul3A_331 = arith.constant 5 : i32
          %mul3A_332 = arith.muli %scan3A_263, %mul3A_331 : i32
          %add3A_333 = arith.constant 2 : i32
          %add3A_334 = arith.addi %mul3A_332, %add3A_333 : i32
          %swap3A_335 = arith.index_cast %add3A_334 : i32 to index
          %swap3A_336 = tpu.vector_load %arg13[%swap3A_335] masked %eq3A_81 {strides = array<i32>} : memref<2576xf32, #tpu.memory_space<vmem>>, vector<16xf32>, vector<16xi1>
          tpu.vector_store %arg13[%swap3A_335], %masked_cumsum3A_330 masked %eq3A_81 {strides = array<i32>} : memref<2576xf32, #tpu.memory_space<vmem>>, vector<16xf32>, vector<16xi1>
          %mul3A_337 = arith.mulf %mul3A_270, %get3A_51 : vector<16xf32>
          %mul3A_338 = arith.mulf %mul3A_277, %get3A_55 : vector<16xf32>
          %add3A_339 = arith.addf %mul3A_337, %mul3A_338 : vector<16xf32>
          %mul3A_340 = arith.mulf %mul3A_284, %get3A_59 : vector<16xf32>
          %add3A_341 = arith.addf %add3A_339, %mul3A_340 : vector<16xf32>
          %mul3A_342 = arith.mulf %mul3A_291, %get3A_63 : vector<16xf32>
          %add3A_343 = arith.addf %add3A_341, %mul3A_342 : vector<16xf32>
          %broadcast_in_dim3A_344 = arith.constant true
          %broadcast_in_dim3A_345 = vector.broadcast %broadcast_in_dim3A_344 : i1 to vector<16xi1>
          %masked_cumsum3A_346 = tpu.scan <sum>, %add3A_343 masked %broadcast_in_dim3A_345 : vector<16xf32>, vector<16xi1> -> vector<16xf32>
          %mul3A_347 = arith.constant 5 : i32
          %mul3A_348 = arith.muli %scan3A_263, %mul3A_347 : i32
          %add3A_349 = arith.constant 3 : i32
          %add3A_350 = arith.addi %mul3A_348, %add3A_349 : i32
          %swap3A_351 = arith.index_cast %add3A_350 : i32 to index
          %swap3A_352 = tpu.vector_load %arg13[%swap3A_351] masked %eq3A_81 {strides = array<i32>} : memref<2576xf32, #tpu.memory_space<vmem>>, vector<16xf32>, vector<16xi1>
          tpu.vector_store %arg13[%swap3A_351], %masked_cumsum3A_346 masked %eq3A_81 {strides = array<i32>} : memref<2576xf32, #tpu.memory_space<vmem>>, vector<16xf32>, vector<16xi1>
          %mul3A_353 = arith.mulf %mul3A_270, %get3A_67 : vector<16xf32>
          %mul3A_354 = arith.mulf %mul3A_277, %get3A_71 : vector<16xf32>
          %add3A_355 = arith.addf %mul3A_353, %mul3A_354 : vector<16xf32>
          %mul3A_356 = arith.mulf %mul3A_284, %get3A_75 : vector<16xf32>
          %add3A_357 = arith.addf %add3A_355, %mul3A_356 : vector<16xf32>
          %mul3A_358 = arith.mulf %mul3A_291, %get3A_79 : vector<16xf32>
          %add3A_359 = arith.addf %add3A_357, %mul3A_358 : vector<16xf32>
          %broadcast_in_dim3A_360 = arith.constant true
          %broadcast_in_dim3A_361 = vector.broadcast %broadcast_in_dim3A_360 : i1 to vector<16xi1>
          %masked_cumsum3A_362 = tpu.scan <sum>, %add3A_359 masked %broadcast_in_dim3A_361 : vector<16xf32>, vector<16xi1> -> vector<16xf32>
          %mul3A_363 = arith.constant 5 : i32
          %mul3A_364 = arith.muli %scan3A_263, %mul3A_363 : i32
          %add3A_365 = arith.constant 4 : i32
          %add3A_366 = arith.addi %mul3A_364, %add3A_365 : i32
          %swap3A_367 = arith.index_cast %add3A_366 : i32 to index
          %swap3A_368 = tpu.vector_load %arg13[%swap3A_367] masked %eq3A_81 {strides = array<i32>} : memref<2576xf32, #tpu.memory_space<vmem>>, vector<16xf32>, vector<16xi1>
          tpu.vector_store %arg13[%swap3A_367], %masked_cumsum3A_362 masked %eq3A_81 {strides = array<i32>} : memref<2576xf32, #tpu.memory_space<vmem>>, vector<16xf32>, vector<16xi1>
        }
        %scan3A_260 = arith.constant 512 : i32
        %mul3A_261 = arith.constant 2560 : i32
        %mul3A_262 = arith.muli %add3A_90, %mul3A_261 : i32
        "tpu.region"() ({
          %run_scoped3A = tpu.sem_alloc : memref<!tpu.dma_semaphore, #tpu.memory_space<semaphore_mem>>
          %dma_start3A_263 = arith.constant 0 : i32
          %dma_start3A_264 = tpu.memref_slice %arg13[%dma_start3A_263] : memref<2576xf32, #tpu.memory_space<vmem>> -> memref<2560xf32, #tpu.memory_space<vmem>>
          %dma_start3A_265 = tpu.memref_slice %arg7[%mul3A_262] : memref<2501120xf32, #tpu.memory_space<hbm>> -> memref<2560xf32, #tpu.memory_space<hbm>>
          %dma_start3A_266 = tpu.memref_slice %arg7[%mul3A_262] : memref<2501120xf32, #tpu.memory_space<hbm>> -> memref<2560xf32, #tpu.memory_space<hbm>>
          %dma_start3A_267 = arith.constant 0 : i32
          %dma_start3A_268 = tpu.memref_slice %arg13[%dma_start3A_267] : memref<2576xf32, #tpu.memory_space<vmem>> -> memref<2560xf32, #tpu.memory_space<vmem>>
          tpu.enqueue_dma source(%dma_start3A_268 : memref<2560xf32, #tpu.memory_space<vmem>>) target(%dma_start3A_266 : memref<2560xf32, #tpu.memory_space<hbm>>) target_semaphore(%run_scoped3A : memref<!tpu.dma_semaphore, #tpu.memory_space<semaphore_mem>>)
          %dma_wait3A_269 = arith.constant 0 : i32
          %dma_wait3A_270 = tpu.memref_slice %arg13[%dma_wait3A_269] : memref<2576xf32, #tpu.memory_space<vmem>> -> memref<2560xf32, #tpu.memory_space<vmem>>
          %dma_wait3A_271 = tpu.memref_slice %arg7[%mul3A_262] : memref<2501120xf32, #tpu.memory_space<hbm>> -> memref<2560xf32, #tpu.memory_space<hbm>>
          %dma_wait3A_272 = tpu.memref_slice %arg7[%mul3A_262] : memref<2501120xf32, #tpu.memory_space<hbm>> -> memref<2560xf32, #tpu.memory_space<hbm>>
          %dma_wait3A_273 = arith.constant 0 : i32
          %dma_wait3A_274 = tpu.memref_slice %arg13[%dma_wait3A_273] : memref<2576xf32, #tpu.memory_space<vmem>> -> memref<2560xf32, #tpu.memory_space<vmem>>
          tpu.wait_dma2 semaphore(%run_scoped3A : memref<!tpu.dma_semaphore, #tpu.memory_space<semaphore_mem>>) src(%dma_wait3A_274 : memref<2560xf32, #tpu.memory_space<vmem>>) dst(%dma_wait3A_272 : memref<2560xf32, #tpu.memory_space<hbm>>)
          tpu.yield
        }) : () -> ()
      } else {
      }
    }
    %scan3A_86 = arith.constant 31 : i32
    return
  }
}

module attributes {stable_mosaic.version = 14 : i64} {
  func.func @_b1(%arg0: i32, %arg1: memref<4000x5xf32, #tpu.memory_space<vmem>>, %arg2: memref<125x5xf32, #tpu.memory_space<vmem>>) attributes {dimension_semantics = [#tpu.dimension_semantics<arbitrary>], iteration_bounds = array<i64: 125>, scalar_prefetch = 0 : i64, scratch_operands = 0 : i64, tpu.core_type = #tpu.core_type<tc>, window_params = [{transform_indices = @transform_0, window_bounds = array<i64: 4000, 5>}, {pipeline_mode = #tpu.pipeline_mode<synchronous>, transform_indices = @transform_1, window_bounds = array<i64: 125, 5>}]} {
    %get3A = arith.constant 0 : index
    %get3A_0 = arith.constant 0 : index
    %get3A_1 = vector.load %arg1[%get3A, %get3A_0] : memref<4000x5xf32, #tpu.memory_space<vmem>>, vector<4000x5xf32>
    %exp3A = math.exp %get3A_1 : vector<4000x5xf32>
    %reduce_sum3A = arith.constant dense<0.000000e+00> : vector<5xf32>
    %reduce_sum3A_2 = vector.multi_reduction <add>, %exp3A, %reduce_sum3A [0] : vector<4000x5xf32> to vector<5xf32>
    %broadcast_in_dim3A = vector.shape_cast %reduce_sum3A_2 : vector<5xf32> to vector<1x5xf32>
    %swap3A = arith.index_cast %arg0 : i32 to index
    %swap3A_3 = arith.constant 0 : index
    %swap3A_4 = vector.load %arg2[%swap3A, %swap3A_3] : memref<125x5xf32, #tpu.memory_space<vmem>>, vector<1x5xf32>
    tpu.vector_store %arg2[%swap3A, %swap3A_3], %broadcast_in_dim3A {strides = array<i32>} : memref<125x5xf32, #tpu.memory_space<vmem>>, vector<1x5xf32>,
    return
  }
  func.func @transform_0(%arg0: i32) -> (i32, i32) {
    %c0_i32 = arith.constant 0 : i32
    %c0_i32_0 = arith.constant 0 : i32
    return %arg0, %c0_i32 : i32, i32
  }
  func.func @transform_1(%arg0: i32) -> (i32, i32) {
    %c0_i32 = arith.constant 0 : i32
    %c0_i32_0 = arith.constant 0 : i32
    %c0_i32_1 = arith.constant 0 : i32
    return %c0_i32, %c0_i32_0 : i32, i32
  }
}

module attributes {stable_mosaic.version = 14 : i64} {
  func.func @_b2(%arg0: i32, %arg1: memref<4000x5xf32, #tpu.memory_space<vmem>>, %arg2: memref<125x5xf32, #tpu.memory_space<vmem>>, %arg3: memref<4000x5xf32, #tpu.memory_space<vmem>>) attributes {dimension_semantics = [#tpu.dimension_semantics<arbitrary>], iteration_bounds = array<i64: 125>, scalar_prefetch = 0 : i64, scratch_operands = 0 : i64, tpu.core_type = #tpu.core_type<tc>, window_params = [{transform_indices = @transform_0, window_bounds = array<i64: 4000, 5>}, {pipeline_mode = #tpu.pipeline_mode<synchronous>, transform_indices = @transform_1, window_bounds = array<i64: 125, 5>}, {transform_indices = @transform_2, window_bounds = array<i64: 4000, 5>}]} {
    %get3A = arith.constant 0 : index
    %get3A_0 = arith.constant 0 : index
    %get3A_1 = vector.load %arg2[%get3A, %get3A_0] : memref<125x5xf32, #tpu.memory_space<vmem>>, vector<125x5xf32>
    %reduce_sum3A = arith.constant dense<0.000000e+00> : vector<5xf32>
    %reduce_sum3A_2 = vector.multi_reduction <add>, %get3A_1, %reduce_sum3A [0] : vector<125x5xf32> to vector<5xf32>
    %broadcast_in_dim3A = vector.shape_cast %reduce_sum3A_2 : vector<5xf32> to vector<1x5xf32>
    %log3A = math.log %broadcast_in_dim3A : vector<1x5xf32>
    %get3A_3 = arith.constant 0 : index
    %get3A_4 = arith.constant 0 : index
    %get3A_5 = vector.load %arg1[%get3A_3, %get3A_4] : memref<4000x5xf32, #tpu.memory_space<vmem>>, vector<4000x5xf32>
    %sub3A = vector.broadcast %log3A : vector<1x5xf32> to vector<4000x5xf32>
    %sub3A_6 = arith.subf %get3A_5, %sub3A : vector<4000x5xf32>
    %swap3A = arith.constant 0 : index
    %swap3A_7 = arith.constant 0 : index
    %swap3A_8 = vector.load %arg3[%swap3A, %swap3A_7] : memref<4000x5xf32, #tpu.memory_space<vmem>>, vector<4000x5xf32>
    tpu.vector_store %arg3[%swap3A, %swap3A_7], %sub3A_6 {strides = array<i32>} : memref<4000x5xf32, #tpu.memory_space<vmem>>, vector<4000x5xf32>,
    return
  }
  func.func @transform_0(%arg0: i32) -> (i32, i32) {
    %c0_i32 = arith.constant 0 : i32
    %c0_i32_0 = arith.constant 0 : i32
    return %arg0, %c0_i32 : i32, i32
  }
  func.func @transform_1(%arg0: i32) -> (i32, i32) {
    %c0_i32 = arith.constant 0 : i32
    %c0_i32_0 = arith.constant 0 : i32
    %c0_i32_1 = arith.constant 0 : i32
    return %c0_i32, %c0_i32_0 : i32, i32
  }
  func.func @transform_2(%arg0: i32) -> (i32, i32) {
    %c0_i32 = arith.constant 0 : i32
    %c0_i32_0 = arith.constant 0 : i32
    return %arg0, %c0_i32 : i32, i32
  }
}

</mosaic_0001>

<sc_bundles>
// kernel: kernel.5.cloned.1.call-start
scs
__scs_entry_jumppad:
0x0: {  	(pc) =	sbr.rel $0x88, $3  }
0x1: {  	(tag) =	ssettag $0x0;
	lr =	simm.s32 $0x1  }
0x2: {  	[smem:$0x3F9D] =	sst lr;
	_ =	strace $0xD0000000  }
0x3: {  	_ = 	snop  }
0x4: {  	_ = 	snop  }
0x5: {  	_ = 	snop  }
0x6: {  	_ = 	snop  }
0x7: {  	_ = 	snop  }
__scs_overlays_trampoline_lowered:
0x8: {  	[smem:$0x3FAC] =	sst s0  }
0x9: {  	[smem:$0x3FAD] =	sst s1  }
0xa: {  	[smem:$0x3FAE] =	sst s2  }
0xb: {  	[smem:$0x3FAF] =	sst s3  }
0xc: {  	[smem:$0x3FB0] =	sst s4  }
0xd: {  	[smem:$0x3FB1] =	sst s5  }
0xe: {  	[smem:$0x3FB2] =	sst s6  }
0xf: {  	[smem:$0x3FB3] =	sst s7  }
0x10: {  	[smem:$0x3FB4] =	sst s8  }
0x11: {  	[smem:$0x3FB5] =	sst s9;
	s0 =	simm.s32 @!p0 $0x0  }
0x12: {  	s1 =	sld [smem:$0x3F9B];
	s0 =	simm.s32 @p0 $0x1  }
0x13: {  	[smem:$0x3FB6] =	sst s0;
	s0 =	simm.s32 @!p1 $0x0  }
0x14: {  	s2 =	sld [smem:$0x3F9A];
	s0 =	simm.s32 @p1 $0x1  }
0x15: {  	[smem:$0x3FB7] =	sst s0;
	s0 =	simm.s32 @!p2 $0x0  }
0x16: {  	s3 =	sld [smem:$0x3FDB];
	s0 =	simm.s32 @p2 $0x1  }
0x17: {  	s4 =	simm.s32 $0x1BF5;
	[smem:$0x3FB9] =	sst s0  }
0x18: {  	s0 =	sld [smem:$0x3F9C];
	_ =	swait.ge [sflag:s4], $0x0  }
0x19: {  	s7 =	sld [smem:$0x3F9D]  }
0x1a: {  	s8 =	sadd.s32 $0xFFFFE003, lr  }
0x1b: {  	s9 =	sadd.s32 $0xFFFFFEF7, lr;
	s5 =	simm.s32 $0xFFFFFFFF;
	p2 =	slt.u32 s8, $0xFFFFF086  }
0x1c: {  	p1 =	slt.u32 s9, $0xF7A;
	s5 =	simm.s32 @!p2 $0x0  }
0x1d: {  	s5 =	simm.s32 @p1 $0x1;
	p0 =	seq.s32 s7, s2  }
0x1e: {  	s7 =	smul.u32 @!p0 $0xF7A, s2;
	p2 =	seq.s32 @!p0 s5, $0x0  }
0x1f: {  	s9 =	smul.u32 $0xF7A, s1;
	s8 =	simm.s32 @!p0 $0x1BF5;
	p2 =	por !p2, p0  }
0x20: {  	[sflag:s8] =	ssyncset.s32 @!p0 $0xFFFFF086;
	s6 =	sadd.s32 @!p0 s3, s7;
	s7 =	simm.s32 @!p0 $0x108  }
0x21: {  	s3 =	sadd.s32 s3, s9;
	s6 =	sadd.s32 @!p0 $0x88, s6;
	s7 =	simm.s32 @p2 $0x1082  }
0x22: {  	[simem:s7], [sflag:s8] =	dma.local @!p0 [hbm:s6], $0xF7A  }
0x23: {  	s9 =	sor.u32 $0xD0000000, s2;
	s6 =	simm.s32 $0x108;
	_ =	swait.ge @!p0 [sflag:s8], $0x0  }
0x24: {  	s3 =	sadd.s32 $0x88, s3;
	s6 =	simm.s32 @!p1 $0x1082;
	[sflag:s4] =	ssyncset.s32 $0xFFFFF086  }
0x25: {  	[simem:s6], [sflag:s4] =	dma.local [hbm:s3], $0xF7A  }
0x26: {  	[smem:$0x3F9D] =	sst s1;
	(tag) =	ssettag s2;
	_ =	strace s9  }
0x27: {  	s1 =	sld [smem:$0x3FAD]  }
0x28: {  	s2 =	sld [smem:$0x3FAE]  }
0x29: {  	s4 =	sld [smem:$0x3FB0]  }
0x2a: {  	p0 =	seq.s32 s5, $0x0;
	s5 =	sld [smem:$0x3FB1]  }
0x2b: {  	s6 =	sld [smem:$0x3FB2]  }
0x2c: {  	s7 =	sld [smem:$0x3FB3]  }
0x2d: {  	s3 =	simm.s32 $0x108;
	s8 =	sld [smem:$0x3FB4]  }
0x2e: {  	s3 =	simm.s32 @!p0 $0x1082;
	s9 =	sld [smem:$0x3FB5]  }
0x2f: {  	lr =	sadd.s32 s0, s3;
	s0 =	sld [smem:$0x3FAC]  }
0x30: {  	s3 =	sld [smem:$0x3FAF]  }
0x31: {  	[smem:$0x3FB8] =	sst s10  }
0x32: {  	s10 =	sld [smem:$0x3FB6];
	_ =	sdelay $0x3  }
0x33: {  	p0 =	seq.s32 s10, $0x1;
	s10 =	sld [smem:$0x3FB8];
	_ =	sdelay $0x3  }
0x34: {  	[smem:$0x3FB8] =	sst s10  }
0x35: {  	s10 =	sld [smem:$0x3FB7];
	_ =	sdelay $0x3  }
0x36: {  	p1 =	seq.s32 s10, $0x1;
	s10 =	sld [smem:$0x3FB8];
	_ =	sdelay $0x3  }
0x37: {  	[smem:$0x3FB8] =	sst s10  }
0x38: {  	s10 =	sld [smem:$0x3FB9]  }
0x39: {  	_ = 	snop;
	(pc) =	sbr.ind lr, $3  }
0x3a: {  	_ = 	snop  }
0x3b: {  	_ = 	snop  }
0x3c: {  	p2 =	seq.s32 s10, $0x1;
	s10 =	sld [smem:$0x3FB8]  }
0x3d: {  	_ =	shalt  }
0x3e: {  	_ =	shalt  }
0x3f: {  	_ =	shalt  }
0x40: {  	_ =	shalt  }
0x41: {  	_ =	shalt  }
0x42: {  	_ =	shalt  }
0x43: {  	_ =	shalt  }
0x44: {  	_ =	shalt  }
0x45: {  	_ =	shalt  }
0x46: {  	_ =	shalt  }
0x47: {  	_ =	shalt  }
0x48: {  	_ =	shalt  }
0x49: {  	_ =	shalt  }
0x4a: {  	_ =	shalt  }
0x4b: {  	_ =	shalt  }
0x4c: {  	_ =	shalt  }
0x4d: {  	_ =	shalt  }
0x4e: {  	_ =	shalt  }
0x4f: {  	_ =	shalt  }
0x50: {  	_ =	shalt  }
0x51: {  	_ =	shalt  }
0x52: {  	_ =	shalt  }
0x53: {  	_ =	shalt  }
0x54: {  	_ =	shalt  }
0x55: {  	_ =	shalt  }
0x56: {  	_ =	shalt  }
0x57: {  	_ =	shalt  }
0x58: {  	_ =	shalt  }
0x59: {  	_ =	shalt  }
0x5a: {  	_ =	shalt  }
0x5b: {  	_ =	shalt  }
0x5c: {  	_ =	shalt  }
0x5d: {  	_ =	shalt  }
0x5e: {  	_ =	shalt  }
0x5f: {  	_ =	shalt  }
0x60: {  	_ =	shalt  }
0x61: {  	_ =	shalt  }
0x62: {  	_ =	shalt  }
0x63: {  	_ =	shalt  }
0x64: {  	_ =	shalt  }
0x65: {  	_ =	shalt  }
0x66: {  	_ =	shalt  }
0x67: {  	_ =	shalt  }
0x68: {  	_ =	shalt  }
0x69: {  	_ =	shalt  }
0x6a: {  	_ =	shalt  }
0x6b: {  	_ =	shalt  }
0x6c: {  	_ =	shalt  }
0x6d: {  	_ =	shalt  }
0x6e: {  	_ =	shalt  }
0x6f: {  	_ =	shalt  }
0x70: {  	_ =	shalt  }
0x71: {  	_ =	shalt  }
0x72: {  	_ =	shalt  }
0x73: {  	_ =	shalt  }
0x74: {  	_ =	shalt  }
0x75: {  	_ =	shalt  }
0x76: {  	_ =	shalt  }
0x77: {  	_ =	shalt  }
0x78: {  	_ =	shalt  }
0x79: {  	_ =	shalt  }
0x7a: {  	_ =	shalt  }
0x7b: {  	_ =	shalt  }
0x7c: {  	_ =	shalt  }
0x7d: {  	_ =	shalt  }
0x7e: {  	_ =	shalt  }
0x7f: {  	_ =	shalt  }
0x80: {  	_ =	shalt  }
0x81: {  	_ =	shalt  }
0x82: {  	_ =	shalt  }
0x83: {  	_ =	shalt  }
0x84: {  	_ =	shalt  }
0x85: {  	_ =	shalt  }
0x86: {  	_ =	shalt  }
0x87: {  	_ =	shalt  }
.Lfunc_end0:
.L_simem_size_0:
called_computation_lowered:
.L_overlay_start_0:
0x88: {  	s2 =	sld [smem:$0x3FD9]  }
0x89: {  	s3 =	sld [smem:$0x3FFE];
	_ =	sdelay $0x1  }
0x8a: {  	s1 =	srdreg.scid  }
0x8b: {  	s0 =	sand.u32 $0x1, s1  }
0x8c: {  	s17 =	sshll.u32 s0, $0xA;
	s2 =	sadd.s32 s3, s2  }
0x8d: {  	s2 =	sadd.s32 s2, s17  }
0x8e: {  	[smem:$0x3FC4] =	sst s2  }
0x8f: {  	_ = 	snop  }
0x90: {  	s2 =	sld [smem:$0x3FD0];
	(tm) =	ssettm $0x1  }
0x91: {  	s18 =	sld [smem:$0x3FFB];
	_ =	sdelay $0x3  }
0x92: {  	_ =	strace s18  }
0x93: {  	s3 =	sld [smem:$0x3FFC];
	_ =	sdelay $0x3  }
0x94: {  	_ =	strace s3  }
0x95: {  	s3 =	sld [smem:$0x3FFD];
	_ =	sdelay $0x3  }
0x96: {  	_ =	strace s3  }
0x97: {  	_ =	strace $0x8FFFFFFF  }
0x98: {  	s19 =	sld [smem:$0x3FDB];
	_ =	sdelay $0x1  }
0x99: {  	s4 =	simm.s32 $_scs_section_size  }
0x9a: {  	s5 =	simm.s32 $_size__tile_overlayer_lowered;
	s6 =	simm.s32 $_tile_overlayer_lowered  }
0x9b: {  	s22 =	simm.s32 $0x1BFF;
	s21 =	sshll.u32 s6, $0x1;
	s3 =	sadd.s32 s4, s19  }
0x9c: {  	s7 =	simm.s32 $0x0;
	s20 =	sshll.u32 s5, $0x1;
	s5 =	sadd.s32 s21, s3  }
0x9d: {  	[timem:s7], [sflag:s22] =	dma.local [hbm:s5], s20  }
0x9e: {  	_ =	swait.ge [sflag:s22], s20  }
0x9f: {  	s4 =	ssub.s32 $0x0, s20;
	[sflag:s22] =	ssyncset.done $0x0  }
0xa0: {  	[sflag:s22] =	ssyncadd.s32 s4;
	_ =	sdelay $0x1  }
0xa1: {  	s23 =	simm.s32 $0x1B8B  }
0xa2: {  	_ =	swait.ge [sflag:s23], $0x1  }
0xa3: {  	[sflag:s23] =	ssyncset.done $0x0  }
0xa4: {  	s25 =	simm.s32 $0x1B8E;
	s24 =	sld [smem:$0x3FFE];
	[sflag:s23] =	ssyncadd.s32 $0xFFFFFFFF  }
0xa5: {  	s26 =	simm.s32 $execute0_lowered;
	[smem:$0x3FD2] =	sst s25  }
0xa6: {  	s5 =	sshll.u32 s26, $0x1;
	_ =	strace $0x80000046;
	[dreg:$0x1] =	wrdreg $0xFFFFFFFF  }
0xa7: {  	s28 =	simm.s32 $_size_execute0_lowered;
	s3 =	sadd.s32 s3, s5;
	[dreg:$0x0] =	wrdreg $0x0  }
0xa8: {  	s5 =	sshll.u32 s28, $0x1;
	[dreg:$0x2] =	wrdreg s3  }
0xa9: {  	[dreg:$0x3] =	wrdreg s5  }
0xaa: {  	[dreg:$0x4] =	wrdreg $0xC0  }
0xab: {  	_ =	task [dreg:s7], $0x5FFFF  }
0xac: {  	[dreg:$0x1] =	wrdreg $0xFFFFFFFF  }
0xad: {  	[dreg:$0x0] =	wrdreg $0x60  }
0xae: {  	[dreg:$0x2] =	wrdreg s24  }
0xaf: {  	[dreg:$0x3] =	wrdreg s2  }
0xb0: {  	[dreg:$0x4] =	wrdreg $0x9  }
0xb1: {  	_ =	task.clear_ibuf [dreg:s7], $0x5FFFF;
	_ =	strace $0x90000046  }
0xb2: {  	s29 =	simm.s32 $0x9;
	_ =	strace $0x80000048  }
0xb3: {  	_ =	swait.ge [sflag:s29], $0x1  }
0xb4: {  	[sflag:s29] =	ssyncadd.s32 $0xFFFFFFFF  }
0xb5: {  	_ =	strace $0x90000048  }
0xb6: {  	_ =	sfence  }
0xb7: {  	s30 =	sld [smem:$0x0];
	_ =	sdelay $0x2  }
0xb8: {  	s31 =	sshll.u32 s1, $0xD;
	s1 =	sshrl.u32 s1, $0x2  }
0xb9: {  	s3 =	sand.u32 $0x4000, s31;
	s1 =	sadd.s32 s1, s30  }
0xba: {  	s0 =	sor.u32 s3, s0;
	s1 =	sshll.u32 s1, $0x11  }
0xbb: {  	s0 =	sor.u32 s1, s0  }
0xbc: {  	s0 =	sadd.s32 $0x8F2B, s0  }
0xbd: {  	[sflag:s0] =	ssyncadd.remote.s32 $0x1  }
0xbe: {  	_ =	sfence.sel $0xFFFF  }
0xbf: {  	[dreg:$0x0] =	wrdreg $0xFFFFFFFF;
	(pc) =	sbr.abs _section_cstart, $3  }
0xc0: {  	[dreg:$0x1] =	wrdreg $0xFFFFFFFF  }
0xc1: {  	_ =	task.clear_ibuf [dreg:s7], $0x2FFFF;
	_ =	strace $0x9FFFFFFF  }
0xc2: {  	(tm) =	ssettm $0x7FFFFFFF  }
0xc3: {  	_ =	shalt  }
tec
execute0_lowered:
.L_overlay_start_1:
0x0: {  	(tag) =	ssettag $0x1  }
0x1: {  	s0 =	rddreg [dreg:$0x0];
	s2 =	simm.s32 $0x0;
	s1 =	srdreg.scid  }
0x2: {  	s5 =	stileid.u32;
	s13 =	simm.s32 $0x2;
	s14 =	simm.s32 $0x3  }
0x3: {  	s15 =	simm.s32 $0x200;
	s16 =	simm.s32 $0x80;
	s18 =	simm.s32 $0x8400  }
0x4: {  	s19 =	simm.s32 $0x2400;
	s20 =	simm.s32 $0x280;
	s21 =	simm.s32 $0xA400  }
0x5: {  	s22 =	simm.s32 $0x100;
	s23 =	simm.s32 $0x4400;
	s24 =	simm.s32 $0x300  }
0x6: {  	s28 =	simm.s32 $0x6400;
	s29 =	simm.s32 $0x380;
	s30 =	simm.s32 $0xE400  }
0x7: {  	s31 =	simm.s32 $0x1;
	[smem:$0x7FF] =	sst s2;
	s3 =	sand.u32 $0x1, s1  }
0x8: {  	s4 =	sadd.s32 $0x1CCE00, s0;
	s6 =	sadd.s32 $0x1F200, s0;
	s7 =	sadd.s32 $0xFC00, s0  }
.Ltmp0:
0x9: {  	s8 =	sadd.s32 $0x600, s0;
	s1 =	ssub.s32 $0x2, s3;
	(pc) =	sbr.rel .LBB2_1-.Ltmp0, $4  }
0xa: {  	s0 =	sadd.s32 $0x400, s0;
	s10 =	sshll.u32 s5, $0x1;
	s25 =	sshrl.u32 s1, $0x1  }
0xb: {  	s2 =	simm.s32 $0x0;
	_ =	strace $0x80000047;
	s1 =	ssub.s32 s1, s25  }
0xc: {  	[dreg:$0x3] =	wrdreg s0;
	s0 =	simm.s32 $0x10540;
	s26 =	smax.u32 s1, $0x1  }
0xd: {  	vm0 =	vcmask $0x3F3C;
	s25 =	simm.s32 $0xC400;
	[dreg:$0x4] =	wrdreg s26;
	s26 =	simm.s32 $0x180  }
.LBB2_7:
0xe: {  	s2 =	rddreg [dreg:$0x5]  }
0xf: {  	s1 =	rddreg [dreg:$0x4];
	s2 =	sadd.s32 $0x1, s2  }
0x10: {  	p0 =	sne.s32 s2, s1  }
.Ltmp1:
0x11: {  	_ = 	snop;
	(pc) =	sbr.rel @!p0 .LBB2_8-.Ltmp1, $1  }
0x12: {  	_ =	sdelay $0x3  }
.LBB2_1:
0x13: {  	[dreg:$0x5] =	wrdreg s2  }
0x14: {  	s1 =	simm.s32 $0x0;
	s17 =	rddreg [dreg:$0x3];
	s5 =	simm.s32 $0x10400  }
0x15: {  	[tilespmem:s5], [sflag:$0x2] =	stream.linear.gather [hbm4b:s17+s1], $0x140, $0x38;
	[tilespmem:$0x10F50] =	vst v63  }
0x16: {  	_ =	swait.ge [sflag:s13], $0x140  }
0x17: {  	[sflag:s13] =	ssyncset.done $0x0  }
0x18: {  	[sflag:s13] =	ssyncadd.s32 $0xFFFFFEC0  }
0x19: {  	v0 =	vld [tilespmem:$0x10400]  }
0x1a: {  	v1 =	vld [tilespmem:$0x10410]  }
0x1b: {  	v2 =	vld [tilespmem:$0x10420]  }
0x1c: {  	v3 =	vld [tilespmem:$0x10430]  }
0x1d: {  	v4 =	vld [tilespmem:$0x10440]  }
0x1e: {  	v5 =	vld [tilespmem:$0x10450]  }
0x1f: {  	v6 =	vld [tilespmem:$0x10460]  }
0x20: {  	v7 =	vld [tilespmem:$0x10470]  }
0x21: {  	v8 =	vld [tilespmem:$0x10480]  }
0x22: {  	v9 =	vld [tilespmem:$0x10490]  }
0x23: {  	v10 =	vld [tilespmem:$0x104A0]  }
0x24: {  	v11 =	vld [tilespmem:$0x104B0]  }
0x25: {  	v12 =	vld [tilespmem:$0x104C0]  }
0x26: {  	v13 =	vld [tilespmem:$0x104D0]  }
0x27: {  	v14 =	vld [tilespmem:$0x104E0]  }
.Ltmp2:
0x28: {  	v15 =	vld [tilespmem:$0x104F0];
	(pc) =	sbr.rel .LBB2_2-.Ltmp2, $4  }
0x29: {  	v16 =	vld [tilespmem:$0x10500]  }
0x2a: {  	v17 =	vld [tilespmem:$0x10510]  }
0x2b: {  	v18 =	vld [tilespmem:$0x10520]  }
0x2c: {  	s12 =	simm.s32 $0x0;
	v19 =	vld [tilespmem:$0x10530]  }
.LBB2_6:
0x2d: {  	s12 =	sadd.s32 $0x1, s12  }
0x2e: {  	p0 =	sne.s32 s12, $0x1F  }
.Ltmp3:
0x2f: {  	_ = 	snop;
	(pc) =	sbr.rel @!p0 .LBB2_7-.Ltmp3, $1  }
0x30: {  	_ =	sdelay $0x3  }
.LBB2_2:
0x31: {  	s1 =	sshll.u32 s12, $0x5  }
0x32: {  	s1 =	sor.u32 s1, s10  }
0x33: {  	s9 =	sor.u32 s3, s1  }
0x34: {  	p0 =	sgt.u32 s9, $0x3D0  }
.Ltmp4:
0x35: {  	_ = 	snop;
	(pc) =	sbr.rel @p0 .LBB2_6-.Ltmp4, $1  }
0x36: {  	_ =	sdelay $0x3  }
0x37: {  	s1 =	sshll.u32 s9, $0x6  }
0x38: {  	s11 =	simm.s32 $0x0;
	s2 =	sadd.s32 s7, s1  }
0x39: {  	[tilespmem:s11], [sflag:$0x3] =	stream.linear.gather [hbm4b:s2+s11], $0x200, $0x38;
	[tilespmem:$0x10F50] =	vst v63  }
0x3a: {  	_ =	swait.ge [sflag:s14], $0x200  }
0x3b: {  	[sflag:s14] =	ssyncset.done $0x0  }
0x3c: {  	s1 =	sadd.s32 s8, s1;
	[sflag:s14] =	ssyncadd.s32 $0xFFFFFE00  }
0x3d: {  	[tilespmem:s15], [sflag:$0x3] =	stream.linear.gather [hbm4b:s1+s11], $0x200, $0x38;
	[tilespmem:$0x10F50] =	vst v63  }
0x3e: {  	_ =	swait.ge [sflag:s14], $0x200  }
0x3f: {  	[sflag:s14] =	ssyncset.done $0x0  }
0x40: {  	s17 =	simm.s32 $0x400;
	[sflag:s14] =	ssyncadd.s32 $0xFFFFFE00  }
0x41: {  	[tilespmem:s17], [sflag:$0x1] =	stream.indirect.gather [hbm4b:s4+s16], $0x40, s11, s16, $0xb8;
	[tilespmem:$0x10F50] =	vst v63  }
0x42: {  	_ = 	snop  }
0x43: {  	[tilespmem:s18], [sflag:$0x1] =	stream.indirect.gather [hbm4b:s6+s16], $0x40, s15, s16, $0xb8;
	[tilespmem:$0x10F50] =	vst v63  }
0x44: {  	_ = 	snop  }
0x45: {  	[tilespmem:s19], [sflag:$0x1] =	stream.indirect.gather [hbm4b:s4+s16], $0x40, s16, s16, $0xb8;
	[tilespmem:$0x10F50] =	vst v63  }
0x46: {  	_ = 	snop  }
0x47: {  	[tilespmem:s21], [sflag:$0x1] =	stream.indirect.gather [hbm4b:s6+s16], $0x40, s20, s16, $0xb8;
	[tilespmem:$0x10F50] =	vst v63  }
0x48: {  	_ = 	snop  }
0x49: {  	[tilespmem:s23], [sflag:$0x1] =	stream.indirect.gather [hbm4b:s4+s16], $0x40, s22, s16, $0xb8;
	[tilespmem:$0x10F50] =	vst v63  }
0x4a: {  	_ = 	snop  }
0x4b: {  	[tilespmem:s25], [sflag:$0x1] =	stream.indirect.gather [hbm4b:s6+s16], $0x40, s24, s16, $0xb8;
	[tilespmem:$0x10F50] =	vst v63  }
0x4c: {  	_ = 	snop  }
0x4d: {  	[tilespmem:s28], [sflag:$0x1] =	stream.indirect.gather [hbm4b:s4+s16], $0x40, s26, s16, $0xb8;
	[tilespmem:$0x10F50] =	vst v63  }
0x4e: {  	_ = 	snop  }
0x4f: {  	[tilespmem:s30], [sflag:$0x1] =	stream.indirect.gather [hbm4b:s6+s16], $0x40, s29, s16, $0xb8;
	[tilespmem:$0x10F50] =	vst v63  }
0x50: {  	_ =	swait.ge [sflag:s31], $0x2000  }
0x51: {  	[sflag:s31] =	ssyncset.done $0x0  }
0x52: {  	[sflag:s31] =	ssyncadd.s32 $0xFFFFE000  }
0x53: {  	_ =	swait.ge [sflag:s31], $0x2000  }
0x54: {  	[sflag:s31] =	ssyncset.done $0x0  }
0x55: {  	[sflag:s31] =	ssyncadd.s32 $0xFFFFE000  }
0x56: {  	_ =	swait.ge [sflag:s31], $0x2000  }
0x57: {  	[sflag:s31] =	ssyncset.done $0x0  }
0x58: {  	[sflag:s31] =	ssyncadd.s32 $0xFFFFE000  }
0x59: {  	_ =	swait.ge [sflag:s31], $0x2000  }
0x5a: {  	[sflag:s31] =	ssyncset.done $0x0  }
0x5b: {  	[sflag:s31] =	ssyncadd.s32 $0xFFFFE000  }
0x5c: {  	_ =	swait.ge [sflag:s31], $0x2000  }
0x5d: {  	[sflag:s31] =	ssyncset.done $0x0  }
0x5e: {  	[sflag:s31] =	ssyncadd.s32 $0xFFFFE000  }
0x5f: {  	_ =	swait.ge [sflag:s31], $0x2000  }
0x60: {  	[sflag:s31] =	ssyncset.done $0x0  }
0x61: {  	[sflag:s31] =	ssyncadd.s32 $0xFFFFE000  }
0x62: {  	_ =	swait.ge [sflag:s31], $0x2000  }
0x63: {  	[sflag:s31] =	ssyncset.done $0x0  }
0x64: {  	[sflag:s31] =	ssyncadd.s32 $0xFFFFE000  }
0x65: {  	_ =	swait.ge [sflag:s31], $0x2000  }
0x66: {  	[sflag:s31] =	ssyncset.done $0x0  }
0x67: {  	s5 =	simm.s32 $0x420;
	[sflag:s31] =	ssyncadd.s32 $0xFFFFE000  }
0x68: {  	s1 =	simm.s32 $0x8420;
	v20 =	vld [tilespmem:s5+$0xFFFFFFE0]  }
0x69: {  	v21 =	vld [tilespmem:s1+$0xFFFFFFF0]  }
0x6a: {  	v22 =	vld [tilespmem:s5+$0xFFFFFFF0]  }
0x6b: {  	v23 =	vld [tilespmem:s1+$0xFFFFFFE0]  }
0x6c: {  	v24 =	vld [tilespmem:s5+$0x0]  }
0x6d: {  	v25 =	vld [tilespmem:s1+$0x0];
	_ =	sdelay $0x1  }
0x6e: {  	v26 =	vld [tilespmem:s5+$0x10]  }
0x6f: {  	v21 =	vmul.f32 v21, v22;
	v22 =	vld [tilespmem:s1+$0x10]  }
0x70: {  	v20 =	vmul.f32 v23, v20  }
0x71: {  	v24 =	vmul.f32 v25, v24  }
0x72: {  	v23 =	vmul.f32 v21, v1;
	v27 =	vmul.f32 v20, v0;
	_ =	sdelay $0x1  }
0x73: {  	v25 =	vmul.f32 v24, v2;
	v23 =	vadd.f32 v23, v27;
	v22 =	vmul.f32 v22, v26;
	_ =	sdelay $0x1  }
0x74: {  	v23 =	vadd.f32 v25, v23;
	v52 =	vmul.f32 v22, v3  }
0x75: {  	v53 =	vmul.f32 v21, v17  }
0x76: {  	v29 =	vmul.f32 v20, v8;
	v30 =	vmul.f32 v21, v9;
	v23 =	vadd.f32 v52, v23  }
0x77: {  	v54 =	vmul.f32 v20, v4;
	v55 =	vmul.f32 v20, v16  }
0x78: {  	v28 =	vmul.f32 v21, v5;
	v56 =	vmul.f32 v24, v10;
	(xrf2) =	vadd.scan.msk.f32 $0xffff, v23;
	v23 =	vadd.f32 v30, v29  }
0x79: {  	v20 =	vmul.f32 v20, v12;
	v21 =	vmul.f32 v21, v13  }
0x7a: {  	v59 =	vmul.f32 v22, v11;
	v23 =	vadd.f32 v56, v23  }
0x7b: {  	v58 =	vmul.f32 v24, v14;
	v20 =	vadd.f32 v21, v20  }
0x7c: {  	v23 =	vadd.f32 v59, v23  }
0x7d: {  	v20 =	vadd.f32 v58, v20;
	v61 =	vmul.f32 v22, v15  }
0x7e: {  	v57 =	vmul.f32 v24, v6;
	v27 =	vadd.f32 v28, v54;
	(xrf2) =	vadd.scan.msk.f32 $0xffff, v23  }
0x7f: {  	v24 =	vmul.f32 v24, v18;
	v21 =	vadd.f32 v53, v55;
	v20 =	vadd.f32 v61, v20  }
0x80: {  	v60 =	vadd.f32 v57, v27;
	v62 =	vmul.f32 v22, v7  }
0x81: {  	v21 =	vadd.f32 v24, v21;
	(xrf2) =	vadd.scan.msk.f32 $0xffff, v20  }
0x82: {  	v63 =	vadd.f32 v62, v60  }
0x83: {  	v22 =	vmul.f32 v22, v19  }
0x84: {  	(xrf2) =	vadd.scan.msk.f32 $0xffff, v63  }
0x85: {  	s2 =	simm.s32 $0x14;
	v20 =	vadd.f32 v22, v21;
	v21, _, _ =	vpop (xrf2)  }
.LBB2_4:
0x86: {  	p0 =	sne.s32 s2, $0x27EC;
	s1 =	sadd.s32 $0x40, s1;
	s5 =	sadd.s32 $0x40, s5  }
0x87: {  	s17 =	sshra.s32 s11, $0x2;
	s11 =	smov.u32 s2;
	s2 =	sadd.s32 $0x14, s2;
	(xrf2) =	vadd.scan.msk.f32 $0xffff, v20  }
0x88: {  	[tilespmem:s17+$0x10540] =	vst.msk vm0, v21;
	v20, _, _ =	vpop (xrf2);
	_ =	sdelay $0x2  }
0x89: {  	v21, _, _ =	vpop (xrf2);
	_ =	sdelay $0x2  }
0x8a: {  	v22, _, _ =	vpop (xrf2)  }
0x8b: {  	[tilespmem:s17+$0x10541] =	vst.msk vm0, v22  }
0x8c: {  	[tilespmem:s17+$0x10542] =	vst.msk vm0, v20  }
0x8d: {  	[tilespmem:s17+$0x10543] =	vst.msk vm0, v21;
	v20, _, _ =	vpop (xrf2)  }
0x8e: {  	[tilespmem:s17+$0x10544] =	vst.msk vm0, v20  }
0x8f: {  	v20 =	vld [tilespmem:s5+$0xFFFFFFE0]  }
0x90: {  	v21 =	vld [tilespmem:s1+$0xFFFFFFF0]  }
0x91: {  	v22 =	vld [tilespmem:s5+$0xFFFFFFF0]  }
0x92: {  	v23 =	vld [tilespmem:s1+$0xFFFFFFE0];
	_ =	sdelay $0x1  }
0x93: {  	v24 =	vld [tilespmem:s5+$0x0]  }
0x94: {  	v25 =	vld [tilespmem:s1+$0x0]  }
0x95: {  	v21 =	vmul.f32 v21, v22  }
0x96: {  	v20 =	vmul.f32 v23, v20  }
0x97: {  	v22 =	vld [tilespmem:s5+$0x10];
	v23 =	vmul.f32 v21, v1;
	v26 =	vmul.f32 v21, v17  }
0x98: {  	v27 =	vmul.f32 v20, v4;
	v28 =	vmul.f32 v20, v16  }
0x99: {  	v31 =	vmul.f32 v21, v5;
	v30 =	vmul.f32 v20, v0;
	v29 =	vld [tilespmem:s1+$0x10]  }
0x9a: {  	v33 =	vmul.f32 v21, v9;
	v32 =	vmul.f32 v20, v8  }
0x9b: {  	v24 =	vmul.f32 v25, v24;
	v23 =	vadd.f32 v23, v30;
	v25 =	vadd.f32 v26, v28  }
0x9c: {  	v21 =	vmul.f32 v21, v13;
	v20 =	vmul.f32 v20, v12;
	v26 =	vadd.f32 v33, v32  }
0x9d: {  	v27 =	vadd.f32 v31, v27;
	v28 =	vmul.f32 v24, v6;
	v30 =	vmul.f32 v24, v14  }
0x9e: {  	v20 =	vadd.f32 v21, v20;
	v22 =	vmul.f32 v29, v22;
	v29 =	vmul.f32 v24, v2  }
0x9f: {  	v21 =	vadd.f32 v28, v27;
	v27 =	vmul.f32 v24, v10;
	v24 =	vmul.f32 v24, v18  }
0xa0: {  	v20 =	vadd.f32 v30, v20;
	v23 =	vadd.f32 v29, v23;
	v28 =	vmul.f32 v22, v3  }
0xa1: {  	v29 =	vmul.f32 v22, v7;
	v30 =	vmul.f32 v22, v11;
	v24 =	vadd.f32 v24, v25  }
0xa2: {  	v25 =	vmul.f32 v22, v15;
	v22 =	vmul.f32 v22, v19;
	v23 =	vadd.f32 v28, v23  }
0xa3: {  	v26 =	vadd.f32 v27, v26;
	v21 =	vadd.f32 v29, v21  }
0xa4: {  	v25 =	vadd.f32 v25, v20;
	v20 =	vadd.f32 v22, v24;
	(xrf2) =	vadd.scan.msk.f32 $0xffff, v23  }
0xa5: {  	v22 =	vadd.f32 v30, v26;
	_ =	sdelay $0x1  }
0xa6: {  	(xrf2) =	vadd.scan.msk.f32 $0xffff, v22;
	_ =	sdelay $0x2  }
.Ltmp5:
0xa7: {  	(xrf2) =	vadd.scan.msk.f32 $0xffff, v25;
	(pc) =	sbr.rel @p0 .LBB2_4-.Ltmp5, $3  }
0xa8: {  	_ =	sdelay $0x1  }
0xa9: {  	(xrf2) =	vadd.scan.msk.f32 $0xffff, v21  }
0xaa: {  	v21, _, _ =	vpop (xrf2)  }
0xab: {  	_ = 	snop  }
0xac: {  	(xrf2) =	vadd.scan.msk.f32 $0xffff, v20;
	_ =	sdelay $0x4  }
0xad: {  	v20, _, _ =	vpop (xrf2)  }
0xae: {  	s1 =	sshra.s32 s11, $0x2;
	v22, _, _ =	vpop (xrf2)  }
0xaf: {  	[tilespmem:s1+$0x10540] =	vst.msk vm0, v21;
	v63, _, _ =	vpop (xrf2)  }
0xb0: {  	[tilespmem:s1+$0x10541] =	vst.msk vm0, v63  }
0xb1: {  	s2 =	smul.u32 $0x140, s9;
	[tilespmem:s1+$0x10542] =	vst.msk vm0, v20  }
0xb2: {  	s11 =	rddreg [dreg:$0x1];
	v20, _, _ =	vpop (xrf2);
	[tilespmem:s1+$0x10543] =	vst.msk vm0, v22  }
.Ltmp6:
0xb3: {  	s17 =	simm.s32 $0x0;
	[tilespmem:s1+$0x10544] =	vst.msk vm0, v20;
	s1 =	sadd.s32 s11, s2;
	(pc) =	sbr.rel .LBB2_6-.Ltmp6, $4  }
0xb4: {  	[hbm4b:s1+s17] =	stream.linear.scatter [tilespmem:s0], [sflag:$0x2], $0xA00, $0x38;
	[tilespmem:$0x10F50] =	vst v63  }
0xb5: {  	_ =	swait.ge [sflag:s13], $0xA00  }
0xb6: {  	[sflag:s13] =	ssyncset.done $0x0  }
0xb7: {  	[sflag:s13] =	ssyncadd.s32 $0xFFFFF600  }
.LBB2_8:
0xb8: {  	_ =	sfence.sel $0x180000  }
0xb9: {  	[bflag:$0x0] =	sbarrier.arrive $0xFFFF  }
0xba: {  	_ =	strace $0x90000047  }
0xbb: {  	s0 =	stileid.u32;
	[bflag:$0x2] =	sbarrier.arrive $0xFFFF  }
0xbc: {  	p0 =	sne.s32 s0, $0x0;
	s0 =	rddreg [dreg:$0x2]  }
0xbd: {  	s0 =	sadd.s32 @!p0 $0x100000, s0  }
0xbe: {  	[sflag:s0] =	ssyncadd.tile.s32 @!p0 $0x1;
	_ =	shalt  }
.Lfunc_end2:
_tile_overlayer_lowered:
.L_overlay_start_2:
0xbf: {  	(tag) =	ssettag $0x2  }
0xc0: {  	s0 =	rddreg [dreg:$0x0];
	s2 =	stileid.u32  }
0xc1: {  	s1 =	rddreg [dreg:$0x1];
	p0 =	sne.s32 s2, $0x0  }
0xc2: {  	s3 =	rddreg [dreg:$0x2];
	[bflag:$0x3] =	sbarrier.arrive $0xFFFF;
	s2 =	simm.s32 @!p0 $0x1C02  }
0xc3: {  	[timem:s3], [sflag:s2] =	dma.local @!p0 [hbm:s0], s1  }
0xc4: {  	s0 =	simm.s32 @!p0 $0x2  }
0xc5: {  	_ =	swait.ge @!p0 [sflag:s0], s1  }
0xc6: {  	s1 =	ssub.s32 @!p0 $0x0, s1;
	[sflag:s0] =	ssyncset.done @!p0 $0x0  }
0xc7: {  	[sflag:s0] =	ssyncadd.s32 @!p0 s1  }
0xc8: {  	[bflag:$0x3] =	sbarrier.arrive $0xFFFF  }
0xc9: {  	_ =	shalt  }

</sc_bundles>
